<compile_context>
chip_gen: v7x
topology: tpu7x:2x2x1
jax: 0.10.2.dev20260603
libtpu: 0.0.44.dev20260713+nightly
codegen_flags: <defaults>
</compile_context>

<pallas_src>
import functools

import jax
import jax.numpy as jnp
from jax import lax
from jax.experimental import pallas as pl
from jax.experimental.pallas import tpu as pltpu
from jax.experimental.pallas import tpu_sc as plsc

N = 10000
D = 128
E = 320000

NC = 2
NS = 16
NW = NC * NS

EPW = E // NW
CE = 80
NV = CE // 16
NBUF = 3
EPW_P = 10080
NCHUNK = EPW_P // CE
NGROUP = NCHUNK // NBUF
NACC = N + 16

RCH = 80
NRCH = N // RCH
RCH_PER_TILE = -(-NRCH // NS)

NP2 = 10240

QH = 40960
QPW = 81920 // NW
QC = 128
QNCHUNK = QPW // QC


def _seg_body(h_hbm, src_hbm, dst_hbm, zacc_hbm, zdeg_hbm,
              agg_out, deg_out,
              sblk, dblk, degacc, acc_sp,
              r0, r1, r2, g0, g1, g2, s0, s1, s2, i0, i1):
    rows = (r0, r1, r2)
    gsem = (g0, g1, g2)
    ssem = (s0, s1, s2)
    isem = (i0, i1)
    cid = lax.axis_index("c")
    sid = lax.axis_index("s")
    wid = cid * NS + sid

    gbase = wid * NGROUP
    pltpu.sync_copy(src_hbm.at[gbase], sblk.at[0])
    pltpu.sync_copy(dst_hbm.at[gbase], dblk.at[0])
    pltpu.async_copy(src_hbm.at[gbase + 1], sblk.at[1], isem[1])
    pltpu.async_copy(dst_hbm.at[gbase + 1], dblk.at[1], isem[1])
    pltpu.sync_copy(zdeg_hbm, degacc)

    pltpu.sync_copy(zacc_hbm, r0)

    def zinit(k, carry):
        j = sid + k * NS

        @pl.when(j < NRCH)
        def _():
            pltpu.sync_copy(r0, acc_sp.at[pl.ds(j * RCH, RCH)])

        return carry

    lax.fori_loop(0, RCH_PER_TILE, zinit, 0)
    plsc.subcore_barrier()

    vone = jnp.ones((16,), jnp.float32)

    for b in range(NBUF):
        pltpu.async_copy(h_hbm.at[sblk.at[0, b]], rows[b], gsem[b])

    def run_group(g, slot):
        nxt = 1 - slot
        for b in range(NBUF):
            pltpu.make_async_copy(h_hbm.at[sblk.at[slot, b]], rows[b],
                                  gsem[b]).wait()
            pltpu.async_copy(rows[b], acc_sp.at[dblk.at[slot, b]], ssem[b],
                             add=True)
            for k in range(NV):
                idx = dblk[slot, b, pl.ds(k * 16, 16)]
                plsc.addupdate_scatter(degacc, [idx], vone)

        @pl.when(g < NGROUP - 1)
        def _():
            pltpu.make_async_copy(src_hbm.at[gbase], sblk.at[nxt],
                                  isem[nxt]).wait()
            pltpu.make_async_copy(dst_hbm.at[gbase], dblk.at[nxt],
                                  isem[nxt]).wait()

        for b in range(NBUF):
            pltpu.make_async_copy(rows[b], acc_sp.at[dblk.at[slot, b]],
                                  ssem[b]).wait()

            @pl.when(g < NGROUP - 1)
            def _():
                pltpu.async_copy(h_hbm.at[sblk.at[nxt, b]], rows[b], gsem[b])

        @pl.when(g < NGROUP - 2)
        def _():
            pltpu.async_copy(src_hbm.at[gbase + g + 2], sblk.at[slot],
                             isem[slot])
            pltpu.async_copy(dst_hbm.at[gbase + g + 2], dblk.at[slot],
                             isem[slot])

    def pair(t, carry):
        run_group(2 * t, 0)
        run_group(2 * t + 1, 1)
        return carry

    lax.fori_loop(0, NGROUP // 2, pair, 0)
    plsc.subcore_barrier()

    for k in range(RCH_PER_TILE):
        j = sid + k * NS
        b = k % NBUF
        if k >= NBUF:
            pltpu.make_async_copy(rows[b], agg_out.at[pl.ds(0, RCH)], gsem[b]).wait()

        @pl.when(j < NRCH)
        def _():
            o = j * RCH
            pltpu.sync_copy(acc_sp.at[pl.ds(o, RCH)], rows[b])
            pltpu.async_copy(rows[b], agg_out.at[pl.ds(cid * N + o, RCH)], gsem[b])

    for k in range(max(0, RCH_PER_TILE - NBUF), RCH_PER_TILE):
        j = sid + k * NS
        b = k % NBUF

        @pl.when(j < NRCH)
        def _():
            pltpu.make_async_copy(rows[b], agg_out.at[pl.ds(0, RCH)], gsem[b]).wait()

    pltpu.sync_copy(degacc, deg_out.at[wid])


@jax.jit
def _seg_sum(h, src, dst, zacc, zdeg):
    mesh = plsc.VectorSubcoreMesh(core_axis_name="c", subcore_axis_name="s")
    return pl.kernel(
        _seg_body,
        out_type=[
            jax.ShapeDtypeStruct((NC * N, D), jnp.float32),
            jax.ShapeDtypeStruct((NW, NP2), jnp.float32),
        ],
        mesh=mesh,
        compiler_params=pltpu.CompilerParams(needs_layout_passes=False),
        scratch_types=[
            pltpu.VMEM((2, 8, CE), jnp.int32),
            pltpu.VMEM((2, 8, CE), jnp.int32),
            pltpu.VMEM((NP2,), jnp.float32),
            pltpu.VMEM_SHARED((NACC, D), jnp.float32),
        ] + [pltpu.VMEM((CE, D), jnp.float32)] * NBUF
          + [pltpu.SemaphoreType.DMA] * (2 * NBUF + 2),
    )(h, src, dst, zacc, zdeg)


NBUFQ = 4
QNGROUP = QNCHUNK // NBUFQ


def _gather_body(h_hbm, idx_hbm, u_out, v_out, qidx,
                 q0, q1, q2, q3, gg0, gg1, gg2, gg3, ww0, ww1, ww2, ww3):
    bufs = (q0, q1, q2, q3)
    gsem = (gg0, gg1, gg2, gg3)
    wsem = (ww0, ww1, ww2, ww3)
    cid = lax.axis_index("c")
    sid = lax.axis_index("s")
    wid = cid * NS + sid

    pltpu.sync_copy(idx_hbm.at[wid], qidx)

    def run(out_ref, base):
        for b in range(NBUFQ):
            pltpu.async_copy(h_hbm.at[qidx.at[b]], bufs[b], gsem[b])

        def group(g, carry):
            gb = g * NBUFQ
            for b in range(NBUFQ):
                j = gb + b
                pltpu.make_async_copy(h_hbm.at[qidx.at[j]], bufs[b], gsem[b]).wait()
                pltpu.async_copy(bufs[b], out_ref.at[pl.ds(base + j * QC, QC)],
                                 wsem[b])
            for b in range(NBUFQ):
                j = gb + b
                pltpu.make_async_copy(bufs[b], out_ref.at[pl.ds(0, QC)],
                                      wsem[b]).wait()

                @pl.when(g < QNGROUP - 1)
                def _():
                    pltpu.async_copy(h_hbm.at[qidx.at[j + NBUFQ]], bufs[b], gsem[b])

            return carry

        lax.fori_loop(0, QNGROUP, group, 0)

    @pl.when(wid < NW // 2)
    def _():
        run(u_out, wid * QPW)

    @pl.when(wid >= NW // 2)
    def _():
        run(v_out, (wid - NW // 2) * QPW)


@jax.jit
def _pair_gather(h, qidx):
    mesh = plsc.VectorSubcoreMesh(core_axis_name="c", subcore_axis_name="s")
    return pl.kernel(
        _gather_body,
        out_type=[
            jax.ShapeDtypeStruct((QH, D), jnp.float32),
            jax.ShapeDtypeStruct((QH, D), jnp.float32),
        ],
        mesh=mesh,
        scratch_types=[
            pltpu.VMEM((QNCHUNK, QC), jnp.int32),
        ] + [pltpu.VMEM((QC, D), jnp.float32)] * NBUFQ
          + [pltpu.SemaphoreType.DMA] * (2 * NBUFQ),
    )(h, qidx)


def _dense_body(parts_ref, degp_ref, h_ref, ws_ref, wn_ref, b_ref, o_ref, *, relu):
    agg = parts_ref[0] + parts_ref[1]
    deg = jnp.sum(degp_ref[...], axis=1).reshape(-1, 1)
    mean = agg / jnp.maximum(deg, 1.0)
    out = (jnp.dot(h_ref[...], ws_ref[...], preferred_element_type=jnp.float32)
           + jnp.dot(mean, wn_ref[...], preferred_element_type=jnp.float32)
           + b_ref[...])
    o_ref[...] = jnp.maximum(out, 0.0) if relu else out


DR = 1000


@functools.partial(jax.jit, static_argnames=("relu",))
def _dense(parts, deg_parts, h, ws, wn, b, relu):
    grid = N // DR
    return pl.pallas_call(
        functools.partial(_dense_body, relu=relu),
        grid=(grid,),
        in_specs=[
            pl.BlockSpec((NC, DR, D), lambda i: (0, i, 0)),
            pl.BlockSpec((DR, NW), lambda i: (i, 0)),
            pl.BlockSpec((DR, D), lambda i: (i, 0)),
            pl.BlockSpec((D, D), lambda i: (0, 0)),
            pl.BlockSpec((D, D), lambda i: (0, 0)),
            pl.BlockSpec((1, D), lambda i: (0, 0)),
        ],
        out_specs=pl.BlockSpec((DR, D), lambda i: (i, 0)),
        out_shape=jax.ShapeDtypeStruct((N, D), jnp.float32),
    )(parts, deg_parts, h, ws, wn, b)


def _pred_body(u_ref, v_ref, w1, b1, w2, b2, w3, b3, o_ref):
    z = u_ref[...] * v_ref[...]
    a = jnp.maximum(jnp.dot(z, w1[...], preferred_element_type=jnp.float32) + b1[...], 0.0)
    a = jnp.maximum(jnp.dot(a, w2[...], preferred_element_type=jnp.float32) + b2[...], 0.0)
    o_ref[...] = jnp.dot(a, w3[...], preferred_element_type=jnp.float32) + b3[...]


PR = 512


@jax.jit
def _pred(u, v, w1, b1, w2, b2, w3, b3):
    grid = QH // PR
    return pl.pallas_call(
        _pred_body,
        grid=(grid,),
        in_specs=[
            pl.BlockSpec((PR, D), lambda i: (i, 0)),
            pl.BlockSpec((PR, D), lambda i: (i, 0)),
            pl.BlockSpec((D, D), lambda i: (0, 0)),
            pl.BlockSpec((1, D), lambda i: (0, 0)),
            pl.BlockSpec((D, D), lambda i: (0, 0)),
            pl.BlockSpec((1, D), lambda i: (0, 0)),
            pl.BlockSpec((D, 1), lambda i: (0, 0)),
            pl.BlockSpec((1, 1), lambda i: (0, 0)),
        ],
        out_specs=pl.BlockSpec((PR, 1), lambda i: (i, 0)),
        out_shape=jax.ShapeDtypeStruct((QH, 1), jnp.float32),
    )(u, v, w1, b1, w2, b2, w3, b3)


def kernel(x, edge_index_0, edge_index_1, edge_index_2, pos_edge_index, neg_edge_index,
           W_self_0, W_neigh_0, b_0, W_self_1, W_neigh_1, b_1, W_self_2, W_neigh_2, b_2,
           P_W1, P_b1, P_W2, P_b2, P_W3, P_b3):
    zacc = jnp.zeros((RCH, D), jnp.float32)
    zdeg = jnp.zeros((NP2,), jnp.float32)

    h = x
    layers = [
        (edge_index_0, W_self_0, W_neigh_0, b_0),
        (edge_index_1, W_self_1, W_neigh_1, b_1),
        (edge_index_2, W_self_2, W_neigh_2, b_2),
    ]
    epad = EPW_P - EPW
    rpad = ((0, 0), (0, 0), (0, 8 - NBUF), (0, 0))
    for i, (ei, ws, wn, b) in enumerate(layers):
        src3 = jnp.pad(
            jnp.pad(ei[0].reshape(NW, EPW), ((0, 0), (0, epad))
                    ).reshape(NW, NGROUP, NBUF, CE), rpad
        ).reshape(NW * NGROUP, 8, CE)
        dst3 = jnp.pad(
            jnp.pad(ei[1].reshape(NW, EPW), ((0, 0), (0, epad)),
                    constant_values=N).reshape(NW, NGROUP, NBUF, CE), rpad,
            constant_values=N,
        ).reshape(NW * NGROUP, 8, CE)
        agg_f, deg_parts = _seg_sum(h, src3, dst3, zacc, zdeg)
        parts = agg_f.reshape(NC, N, D)
        h = _dense(parts, deg_parts.T, h, ws, wn, b.reshape(1, D), relu=(i < 2))

    pad = jnp.zeros((QH - 40000,), jnp.int32)
    qidx = jnp.concatenate([
        pos_edge_index[0], neg_edge_index[0], pad,
        pos_edge_index[1], neg_edge_index[1], pad,
    ]).reshape(NW, QNCHUNK, QC)
    u, v = _pair_gather(h, qidx)
    out = _pred(u, v, P_W1, P_b1.reshape(1, D), P_W2, P_b2.reshape(1, D),
                P_W3, P_b3.reshape(1, 1))
    return out[:20000], out[20000:40000]

# --- scband reference (transcript-rebuilt; emitter-appended) ---
"""Pipeline reference for scband-sage-6966436954825 (READ-ONLY COPY).

The authoritative reference and input builder live on the scoring server;
editing this copy changes nothing except your own understanding.
"""

import jax, jax.numpy as jnp
import numpy as np

N = 10000
E = 320000
D = 128
NP = 20000
NN = 20000


def _sage_layer(h, src, dst, W_self, W_neigh, b):
    # DGL SAGEConv with 'mean' aggregator:
    # rst = fc_self(h_dst) + fc_neigh(mean_{u in N(v)} h_u) + bias
    msg = h[src]
    agg = jax.ops.segment_sum(msg, dst, num_segments=N)
    deg = jax.ops.segment_sum(jnp.ones((dst.shape[0],), jnp.float32), dst, num_segments=N)
    mean = agg / jnp.maximum(deg, 1.0)[:, None]
    return h @ W_self + mean @ W_neigh + b


def _predictor(z, P_W1, P_b1, P_W2, P_b2, P_W3, P_b3):
    h = jax.nn.relu(z @ P_W1 + P_b1)
    h = jax.nn.relu(h @ P_W2 + P_b2)
    return h @ P_W3 + P_b3


def setup_inputs(seed: int = 0) -> dict:
    key = jax.random.key(seed)
    ks = jax.random.split(key, 24)
    inp = {}
    inp["x"] = jax.random.normal(ks[0], (N, D), dtype=jnp.float32)
    inp["edge_index_0"] = jax.random.randint(ks[1], (2, E), 0, N, dtype=jnp.int32)
    inp["edge_index_1"] = jax.random.randint(ks[2], (2, E), 0, N, dtype=jnp.int32)
    inp["edge_index_2"] = jax.random.randint(ks[3], (2, E), 0, N, dtype=jnp.int32)
    inp["pos_edge_index"] = jax.random.randint(ks[4], (2, NP), 0, N, dtype=jnp.int32)
    inp["neg_edge_index"] = jax.random.randint(ks[5], (2, NN), 0, N, dtype=jnp.int32)
    s = 1.0 / np.sqrt(D)
    for i in range(3):
        inp[f"W_self_{i}"] = jax.random.normal(ks[6 + 2 * i], (D, D), dtype=jnp.float32) * s
        inp[f"W_neigh_{i}"] = jax.random.normal(ks[7 + 2 * i], (D, D), dtype=jnp.float32) * s
        inp[f"b_{i}"] = jnp.zeros((D,), dtype=jnp.float32)
    inp["P_W1"] = jax.random.normal(ks[12], (D, D), dtype=jnp.float32) * s
    inp["P_b1"] = jnp.zeros((D,), dtype=jnp.float32)
    inp["P_W2"] = jax.random.normal(ks[13], (D, D), dtype=jnp.float32) * s
    inp["P_b2"] = jnp.zeros((D,), dtype=jnp.float32)
    inp["P_W3"] = jax.random.normal(ks[14], (D, 1), dtype=jnp.float32) * s
    inp["P_b3"] = jnp.zeros((1,), dtype=jnp.float32)
    return inp


def reference(x, edge_index_0, edge_index_1, edge_index_2, pos_edge_index, neg_edge_index,
              W_self_0, W_neigh_0, b_0, W_self_1, W_neigh_1, b_1, W_self_2, W_neigh_2, b_2,
              P_W1, P_b1, P_W2, P_b2, P_W3, P_b3):
    blocks = [edge_index_0, edge_index_1, edge_index_2]
    Ws = [(W_self_0, W_neigh_0, b_0), (W_self_1, W_neigh_1, b_1), (W_self_2, W_neigh_2, b_2)]
    h = x
    for i in range(3):
        ei = blocks[i]
        h = _sage_layer(h, ei[0], ei[1], *Ws[i])
        if i < 2:
            h = jax.nn.relu(h)
    hp = h[pos_edge_index[0]] * h[pos_edge_index[1]]
    hn = h[neg_edge_index[0]] * h[neg_edge_index[1]]
    hidden_pos = _predictor(hp, P_W1, P_b1, P_W2, P_b2, P_W3, P_b3)
    hidden_neg = _predictor(hn, P_W1, P_b1, P_W2, P_b2, P_W3, P_b3)
    return (hidden_pos, hidden_neg)

if __name__ == "__main__":
    import jax
    _d = setup_inputs()
    print(jax.jit(kernel)(*tuple(_d.values())))

</pallas_src>

<mosaic_0001>
#map = affine_map<(d0, d1) -> (0, 0)>
#map1 = affine_map<(d0, d1) -> (0, 0, 0)>
#map2 = affine_map<(d0, d1) -> (0)>
module attributes {stable_mosaic.version = 14 : i64} {
  func.func @_seg_body(%arg0: i32, %arg1: i32, %arg2: memref<10000x128xf32, #tpu.memory_space<hbm>>, %arg3: memref<1344x8x80xi32, #tpu.memory_space<hbm>>, %arg4: memref<1344x8x80xi32, #tpu.memory_space<hbm>>, %arg5: memref<80x128xf32, #tpu.memory_space<hbm>>, %arg6: memref<10240xf32, #tpu.memory_space<hbm>>, %arg7: memref<20000x128xf32, #tpu.memory_space<hbm>>, %arg8: memref<32x10240xf32, #tpu.memory_space<hbm>>, %arg9: memref<2x8x80xi32, #tpu.memory_space<vmem>>, %arg10: memref<2x8x80xi32, #tpu.memory_space<vmem>>, %arg11: memref<10240xf32, #tpu.memory_space<vmem>>, %arg12: memref<10016x128xf32, #tpu.memory_space<vmem_shared>>, %arg13: memref<80x128xf32, #tpu.memory_space<vmem>>, %arg14: memref<80x128xf32, #tpu.memory_space<vmem>>, %arg15: memref<80x128xf32, #tpu.memory_space<vmem>>, %arg16: memref<!tpu.dma_semaphore, #tpu.memory_space<semaphore_mem>>, %arg17: memref<!tpu.dma_semaphore, #tpu.memory_space<semaphore_mem>>, %arg18: memref<!tpu.dma_semaphore, #tpu.memory_space<semaphore_mem>>, %arg19: memref<!tpu.dma_semaphore, #tpu.memory_space<semaphore_mem>>, %arg20: memref<!tpu.dma_semaphore, #tpu.memory_space<semaphore_mem>>, %arg21: memref<!tpu.dma_semaphore, #tpu.memory_space<semaphore_mem>>, %arg22: memref<!tpu.dma_semaphore, #tpu.memory_space<semaphore_mem>>, %arg23: memref<!tpu.dma_semaphore, #tpu.memory_space<semaphore_mem>>) attributes {dimension_semantics = [#tpu.dimension_semantics<core_parallel>, #tpu.dimension_semantics<subcore_parallel>], iteration_bounds = array<i64: 2, 16>, scalar_prefetch = 0 : i64, scratch_operands = 15 : i64, tpu.core_type = #tpu.core_type<sc_vector_subcore>, window_params = [{transform_indices = #map}, {transform_indices = #map1}, {transform_indices = #map1}, {transform_indices = #map}, {transform_indices = #map2}, {transform_indices = #map}, {transform_indices = #map}]} {
    %mul3A = arith.constant 16 : i32
    %mul3A_0 = arith.muli %arg0, %mul3A : i32
    %add3A = arith.addi %mul3A_0, %arg1 : i32
    %mul3A_1 = arith.constant 42 : i32
    %mul3A_2 = arith.muli %add3A, %mul3A_1 : i32
    %run_scoped3A = arith.constant 0 : i32
    "tpu.region"() ({
      %run_scoped3A_181 = tpu.sem_alloc : memref<!tpu.dma_semaphore, #tpu.memory_space<semaphore_mem>>
      %dma_start3A_182 = arith.constant 0 : i32
      %dma_start3A_183 = arith.constant 0 : i32
      %dma_start3A_184 = tpu.memref_slice %arg9[%run_scoped3A, %dma_start3A_182, %dma_start3A_183] : memref<2x8x80xi32, #tpu.memory_space<vmem>> -> memref<1x8x80xi32, #tpu.memory_space<vmem>>
      %dma_start3A_185 = tpu.memref_squeeze %dma_start3A_184 : memref<1x8x80xi32, #tpu.memory_space<vmem>> -> memref<8x80xi32, #tpu.memory_space<vmem>>
      %dma_start3A_186 = arith.constant 0 : i32
      %dma_start3A_187 = arith.constant 0 : i32
      %dma_start3A_188 = tpu.memref_slice %arg3[%mul3A_2, %dma_start3A_186, %dma_start3A_187] : memref<1344x8x80xi32, #tpu.memory_space<hbm>> -> memref<1x8x80xi32, #tpu.memory_space<hbm>>
      %dma_start3A_189 = tpu.memref_squeeze %dma_start3A_188 : memref<1x8x80xi32, #tpu.memory_space<hbm>> -> memref<8x80xi32, #tpu.memory_space<hbm>>
      %dma_start3A_190 = arith.constant 0 : i32
      %dma_start3A_191 = arith.constant 0 : i32
      %dma_start3A_192 = tpu.memref_slice %arg9[%run_scoped3A, %dma_start3A_190, %dma_start3A_191] : memref<2x8x80xi32, #tpu.memory_space<vmem>> -> memref<1x8x80xi32, #tpu.memory_space<vmem>>
      %dma_start3A_193 = tpu.memref_squeeze %dma_start3A_192 : memref<1x8x80xi32, #tpu.memory_space<vmem>> -> memref<8x80xi32, #tpu.memory_space<vmem>>
      %dma_start3A_194 = arith.constant 0 : i32
      %dma_start3A_195 = arith.constant 0 : i32
      %dma_start3A_196 = tpu.memref_slice %arg3[%mul3A_2, %dma_start3A_194, %dma_start3A_195] : memref<1344x8x80xi32, #tpu.memory_space<hbm>> -> memref<1x8x80xi32, #tpu.memory_space<hbm>>
      %dma_start3A_197 = tpu.memref_squeeze %dma_start3A_196 : memref<1x8x80xi32, #tpu.memory_space<hbm>> -> memref<8x80xi32, #tpu.memory_space<hbm>>
      tpu.enqueue_dma source(%dma_start3A_197 : memref<8x80xi32, #tpu.memory_space<hbm>>) target(%dma_start3A_193 : memref<8x80xi32, #tpu.memory_space<vmem>>) target_semaphore(%run_scoped3A_181 : memref<!tpu.dma_semaphore, #tpu.memory_space<semaphore_mem>>)
      %dma_wait3A_198 = arith.constant 0 : i32
      %dma_wait3A_199 = arith.constant 0 : i32
      %dma_wait3A_200 = tpu.memref_slice %arg9[%run_scoped3A, %dma_wait3A_198, %dma_wait3A_199] : memref<2x8x80xi32, #tpu.memory_space<vmem>> -> memref<1x8x80xi32, #tpu.memory_space<vmem>>
      %dma_wait3A_201 = tpu.memref_squeeze %dma_wait3A_200 : memref<1x8x80xi32, #tpu.memory_space<vmem>> -> memref<8x80xi32, #tpu.memory_space<vmem>>
      %dma_wait3A_202 = arith.constant 0 : i32
      %dma_wait3A_203 = arith.constant 0 : i32
      %dma_wait3A_204 = tpu.memref_slice %arg3[%mul3A_2, %dma_wait3A_202, %dma_wait3A_203] : memref<1344x8x80xi32, #tpu.memory_space<hbm>> -> memref<1x8x80xi32, #tpu.memory_space<hbm>>
      %dma_wait3A_205 = tpu.memref_squeeze %dma_wait3A_204 : memref<1x8x80xi32, #tpu.memory_space<hbm>> -> memref<8x80xi32, #tpu.memory_space<hbm>>
      %dma_wait3A_206 = arith.constant 0 : i32
      %dma_wait3A_207 = arith.constant 0 : i32
      %dma_wait3A_208 = tpu.memref_slice %arg9[%run_scoped3A, %dma_wait3A_206, %dma_wait3A_207] : memref<2x8x80xi32, #tpu.memory_space<vmem>> -> memref<1x8x80xi32, #tpu.memory_space<vmem>>
      %dma_wait3A_209 = tpu.memref_squeeze %dma_wait3A_208 : memref<1x8x80xi32, #tpu.memory_space<vmem>> -> memref<8x80xi32, #tpu.memory_space<vmem>>
      %dma_wait3A_210 = arith.constant 0 : i32
      %dma_wait3A_211 = arith.constant 0 : i32
      %dma_wait3A_212 = tpu.memref_slice %arg3[%mul3A_2, %dma_wait3A_210, %dma_wait3A_211] : memref<1344x8x80xi32, #tpu.memory_space<hbm>> -> memref<1x8x80xi32, #tpu.memory_space<hbm>>
      %dma_wait3A_213 = tpu.memref_squeeze %dma_wait3A_212 : memref<1x8x80xi32, #tpu.memory_space<hbm>> -> memref<8x80xi32, #tpu.memory_space<hbm>>
      tpu.wait_dma2 semaphore(%run_scoped3A_181 : memref<!tpu.dma_semaphore, #tpu.memory_space<semaphore_mem>>) src(%dma_wait3A_213 : memref<8x80xi32, #tpu.memory_space<hbm>>) dst(%dma_wait3A_209 : memref<8x80xi32, #tpu.memory_space<vmem>>)
      tpu.yield
    }) : () -> ()
    %run_scoped3A_3 = arith.constant 0 : i32
    "tpu.region"() ({
      %run_scoped3A_181 = tpu.sem_alloc : memref<!tpu.dma_semaphore, #tpu.memory_space<semaphore_mem>>
      %dma_start3A_182 = arith.constant 0 : i32
      %dma_start3A_183 = arith.constant 0 : i32
      %dma_start3A_184 = tpu.memref_slice %arg10[%run_scoped3A_3, %dma_start3A_182, %dma_start3A_183] : memref<2x8x80xi32, #tpu.memory_space<vmem>> -> memref<1x8x80xi32, #tpu.memory_space<vmem>>
      %dma_start3A_185 = tpu.memref_squeeze %dma_start3A_184 : memref<1x8x80xi32, #tpu.memory_space<vmem>> -> memref<8x80xi32, #tpu.memory_space<vmem>>
      %dma_start3A_186 = arith.constant 0 : i32
      %dma_start3A_187 = arith.constant 0 : i32
      %dma_start3A_188 = tpu.memref_slice %arg4[%mul3A_2, %dma_start3A_186, %dma_start3A_187] : memref<1344x8x80xi32, #tpu.memory_space<hbm>> -> memref<1x8x80xi32, #tpu.memory_space<hbm>>
      %dma_start3A_189 = tpu.memref_squeeze %dma_start3A_188 : memref<1x8x80xi32, #tpu.memory_space<hbm>> -> memref<8x80xi32, #tpu.memory_space<hbm>>
      %dma_start3A_190 = arith.constant 0 : i32
      %dma_start3A_191 = arith.constant 0 : i32
      %dma_start3A_192 = tpu.memref_slice %arg10[%run_scoped3A_3, %dma_start3A_190, %dma_start3A_191] : memref<2x8x80xi32, #tpu.memory_space<vmem>> -> memref<1x8x80xi32, #tpu.memory_space<vmem>>
      %dma_start3A_193 = tpu.memref_squeeze %dma_start3A_192 : memref<1x8x80xi32, #tpu.memory_space<vmem>> -> memref<8x80xi32, #tpu.memory_space<vmem>>
      %dma_start3A_194 = arith.constant 0 : i32
      %dma_start3A_195 = arith.constant 0 : i32
      %dma_start3A_196 = tpu.memref_slice %arg4[%mul3A_2, %dma_start3A_194, %dma_start3A_195] : memref<1344x8x80xi32, #tpu.memory_space<hbm>> -> memref<1x8x80xi32, #tpu.memory_space<hbm>>
      %dma_start3A_197 = tpu.memref_squeeze %dma_start3A_196 : memref<1x8x80xi32, #tpu.memory_space<hbm>> -> memref<8x80xi32, #tpu.memory_space<hbm>>
      tpu.enqueue_dma source(%dma_start3A_197 : memref<8x80xi32, #tpu.memory_space<hbm>>) target(%dma_start3A_193 : memref<8x80xi32, #tpu.memory_space<vmem>>) target_semaphore(%run_scoped3A_181 : memref<!tpu.dma_semaphore, #tpu.memory_space<semaphore_mem>>)
      %dma_wait3A_198 = arith.constant 0 : i32
      %dma_wait3A_199 = arith.constant 0 : i32
      %dma_wait3A_200 = tpu.memref_slice %arg10[%run_scoped3A_3, %dma_wait3A_198, %dma_wait3A_199] : memref<2x8x80xi32, #tpu.memory_space<vmem>> -> memref<1x8x80xi32, #tpu.memory_space<vmem>>
      %dma_wait3A_201 = tpu.memref_squeeze %dma_wait3A_200 : memref<1x8x80xi32, #tpu.memory_space<vmem>> -> memref<8x80xi32, #tpu.memory_space<vmem>>
      %dma_wait3A_202 = arith.constant 0 : i32
      %dma_wait3A_203 = arith.constant 0 : i32
      %dma_wait3A_204 = tpu.memref_slice %arg4[%mul3A_2, %dma_wait3A_202, %dma_wait3A_203] : memref<1344x8x80xi32, #tpu.memory_space<hbm>> -> memref<1x8x80xi32, #tpu.memory_space<hbm>>
      %dma_wait3A_205 = tpu.memref_squeeze %dma_wait3A_204 : memref<1x8x80xi32, #tpu.memory_space<hbm>> -> memref<8x80xi32, #tpu.memory_space<hbm>>
      %dma_wait3A_206 = arith.constant 0 : i32
      %dma_wait3A_207 = arith.constant 0 : i32
      %dma_wait3A_208 = tpu.memref_slice %arg10[%run_scoped3A_3, %dma_wait3A_206, %dma_wait3A_207] : memref<2x8x80xi32, #tpu.memory_space<vmem>> -> memref<1x8x80xi32, #tpu.memory_space<vmem>>
      %dma_wait3A_209 = tpu.memref_squeeze %dma_wait3A_208 : memref<1x8x80xi32, #tpu.memory_space<vmem>> -> memref<8x80xi32, #tpu.memory_space<vmem>>
      %dma_wait3A_210 = arith.constant 0 : i32
      %dma_wait3A_211 = arith.constant 0 : i32
      %dma_wait3A_212 = tpu.memref_slice %arg4[%mul3A_2, %dma_wait3A_210, %dma_wait3A_211] : memref<1344x8x80xi32, #tpu.memory_space<hbm>> -> memref<1x8x80xi32, #tpu.memory_space<hbm>>
      %dma_wait3A_213 = tpu.memref_squeeze %dma_wait3A_212 : memref<1x8x80xi32, #tpu.memory_space<hbm>> -> memref<8x80xi32, #tpu.memory_space<hbm>>
      tpu.wait_dma2 semaphore(%run_scoped3A_181 : memref<!tpu.dma_semaphore, #tpu.memory_space<semaphore_mem>>) src(%dma_wait3A_213 : memref<8x80xi32, #tpu.memory_space<hbm>>) dst(%dma_wait3A_209 : memref<8x80xi32, #tpu.memory_space<vmem>>)
      tpu.yield
    }) : () -> ()
    %add3A_4 = arith.constant 1 : i32
    %add3A_5 = arith.addi %mul3A_2, %add3A_4 : i32
    %dma_start3A = arith.constant 1 : i32
    %dma_start3A_6 = arith.constant 0 : i32
    %dma_start3A_7 = arith.constant 0 : i32
    %dma_start3A_8 = tpu.memref_slice %arg9[%dma_start3A, %dma_start3A_6, %dma_start3A_7] : memref<2x8x80xi32, #tpu.memory_space<vmem>> -> memref<1x8x80xi32, #tpu.memory_space<vmem>>
    %dma_start3A_9 = tpu.memref_squeeze %dma_start3A_8 : memref<1x8x80xi32, #tpu.memory_space<vmem>> -> memref<8x80xi32, #tpu.memory_space<vmem>>
    %dma_start3A_10 = arith.constant 0 : i32
    %dma_start3A_11 = arith.constant 0 : i32
    %dma_start3A_12 = tpu.memref_slice %arg3[%add3A_5, %dma_start3A_10, %dma_start3A_11] : memref<1344x8x80xi32, #tpu.memory_space<hbm>> -> memref<1x8x80xi32, #tpu.memory_space<hbm>>
    %dma_start3A_13 = tpu.memref_squeeze %dma_start3A_12 : memref<1x8x80xi32, #tpu.memory_space<hbm>> -> memref<8x80xi32, #tpu.memory_space<hbm>>
    %dma_start3A_14 = arith.constant 0 : i32
    %dma_start3A_15 = arith.constant 0 : i32
    %dma_start3A_16 = tpu.memref_slice %arg9[%dma_start3A, %dma_start3A_14, %dma_start3A_15] : memref<2x8x80xi32, #tpu.memory_space<vmem>> -> memref<1x8x80xi32, #tpu.memory_space<vmem>>
    %dma_start3A_17 = tpu.memref_squeeze %dma_start3A_16 : memref<1x8x80xi32, #tpu.memory_space<vmem>> -> memref<8x80xi32, #tpu.memory_space<vmem>>
    %dma_start3A_18 = arith.constant 0 : i32
    %dma_start3A_19 = arith.constant 0 : i32
    %dma_start3A_20 = tpu.memref_slice %arg3[%add3A_5, %dma_start3A_18, %dma_start3A_19] : memref<1344x8x80xi32, #tpu.memory_space<hbm>> -> memref<1x8x80xi32, #tpu.memory_space<hbm>>
    %dma_start3A_21 = tpu.memref_squeeze %dma_start3A_20 : memref<1x8x80xi32, #tpu.memory_space<hbm>> -> memref<8x80xi32, #tpu.memory_space<hbm>>
    tpu.enqueue_dma source(%dma_start3A_21 : memref<8x80xi32, #tpu.memory_space<hbm>>) target(%dma_start3A_17 : memref<8x80xi32, #tpu.memory_space<vmem>>) target_semaphore(%arg23 : memref<!tpu.dma_semaphore, #tpu.memory_space<semaphore_mem>>)
    %add3A_22 = arith.constant 1 : i32
    %add3A_23 = arith.addi %mul3A_2, %add3A_22 : i32
    %dma_start3A_24 = arith.constant 1 : i32
    %dma_start3A_25 = arith.constant 0 : i32
    %dma_start3A_26 = arith.constant 0 : i32
    %dma_start3A_27 = tpu.memref_slice %arg10[%dma_start3A_24, %dma_start3A_25, %dma_start3A_26] : memref<2x8x80xi32, #tpu.memory_space<vmem>> -> memref<1x8x80xi32, #tpu.memory_space<vmem>>
    %dma_start3A_28 = tpu.memref_squeeze %dma_start3A_27 : memref<1x8x80xi32, #tpu.memory_space<vmem>> -> memref<8x80xi32, #tpu.memory_space<vmem>>
    %dma_start3A_29 = arith.constant 0 : i32
    %dma_start3A_30 = arith.constant 0 : i32
    %dma_start3A_31 = tpu.memref_slice %arg4[%add3A_23, %dma_start3A_29, %dma_start3A_30] : memref<1344x8x80xi32, #tpu.memory_space<hbm>> -> memref<1x8x80xi32, #tpu.memory_space<hbm>>
    %dma_start3A_32 = tpu.memref_squeeze %dma_start3A_31 : memref<1x8x80xi32, #tpu.memory_space<hbm>> -> memref<8x80xi32, #tpu.memory_space<hbm>>
    %dma_start3A_33 = arith.constant 0 : i32
    %dma_start3A_34 = arith.constant 0 : i32
    %dma_start3A_35 = tpu.memref_slice %arg10[%dma_start3A_24, %dma_start3A_33, %dma_start3A_34] : memref<2x8x80xi32, #tpu.memory_space<vmem>> -> memref<1x8x80xi32, #tpu.memory_space<vmem>>
    %dma_start3A_36 = tpu.memref_squeeze %dma_start3A_35 : memref<1x8x80xi32, #tpu.memory_space<vmem>> -> memref<8x80xi32, #tpu.memory_space<vmem>>
    %dma_start3A_37 = arith.constant 0 : i32
    %dma_start3A_38 = arith.constant 0 : i32
    %dma_start3A_39 = tpu.memref_slice %arg4[%add3A_23, %dma_start3A_37, %dma_start3A_38] : memref<1344x8x80xi32, #tpu.memory_space<hbm>> -> memref<1x8x80xi32, #tpu.memory_space<hbm>>
    %dma_start3A_40 = tpu.memref_squeeze %dma_start3A_39 : memref<1x8x80xi32, #tpu.memory_space<hbm>> -> memref<8x80xi32, #tpu.memory_space<hbm>>
    tpu.enqueue_dma source(%dma_start3A_40 : memref<8x80xi32, #tpu.memory_space<hbm>>) target(%dma_start3A_36 : memref<8x80xi32, #tpu.memory_space<vmem>>) target_semaphore(%arg23 : memref<!tpu.dma_semaphore, #tpu.memory_space<semaphore_mem>>)
    "tpu.region"() ({
      %run_scoped3A_181 = tpu.sem_alloc : memref<!tpu.dma_semaphore, #tpu.memory_space<semaphore_mem>>
      tpu.enqueue_dma source(%arg6 : memref<10240xf32, #tpu.memory_space<hbm>>) target(%arg11 : memref<10240xf32, #tpu.memory_space<vmem>>) target_semaphore(%run_scoped3A_181 : memref<!tpu.dma_semaphore, #tpu.memory_space<semaphore_mem>>)
      tpu.wait_dma2 semaphore(%run_scoped3A_181 : memref<!tpu.dma_semaphore, #tpu.memory_space<semaphore_mem>>) src(%arg6 : memref<10240xf32, #tpu.memory_space<hbm>>) dst(%arg11 : memref<10240xf32, #tpu.memory_space<vmem>>)
      tpu.yield
    }) : () -> ()
    "tpu.region"() ({
      %run_scoped3A_181 = tpu.sem_alloc : memref<!tpu.dma_semaphore, #tpu.memory_space<semaphore_mem>>
      tpu.enqueue_dma source(%arg5 : memref<80x128xf32, #tpu.memory_space<hbm>>) target(%arg13 : memref<80x128xf32, #tpu.memory_space<vmem>>) target_semaphore(%run_scoped3A_181 : memref<!tpu.dma_semaphore, #tpu.memory_space<semaphore_mem>>)
      tpu.wait_dma2 semaphore(%run_scoped3A_181 : memref<!tpu.dma_semaphore, #tpu.memory_space<semaphore_mem>>) src(%arg5 : memref<80x128xf32, #tpu.memory_space<hbm>>) dst(%arg13 : memref<80x128xf32, #tpu.memory_space<vmem>>)
      tpu.yield
    }) : () -> ()
    %scan3A = arith.constant 0 : i32
    %scan3A_41 = arith.constant 0 : i32
    %scan3A_42 = arith.constant 8 : i32
    %scan3A_43 = arith.addi %scan3A_41, %scan3A_42 : i32
    %scan3A_44 = arith.constant 1 : i32
    scf.for %scan3A_181 = %scan3A_41 to %scan3A_43 step %scan3A_44  : i32 {
      %mul3A_182 = arith.constant 16 : i32
      %mul3A_183 = arith.muli %scan3A_181, %mul3A_182 : i32
      %add3A_184 = arith.addi %arg1, %mul3A_183 : i32
      %lt3A_185 = arith.constant 125 : i32
      %lt3A_186 = arith.cmpi slt, %add3A_184, %lt3A_185 : i32
      %convert_element_type3A_187 = arith.extui %lt3A_186 : i1 to i32
      %cond3A_188 = arith.constant 0 : i32
      %cond3A_189 = arith.cmpi ne, %convert_element_type3A_187, %cond3A_188 : i32
      scf.if %cond3A_189 {
        %mul3A_190 = arith.constant 80 : i32
        %mul3A_191 = arith.muli %add3A_184, %mul3A_190 : i32
        "tpu.region"() ({
          %run_scoped3A_192 = tpu.sem_alloc : memref<!tpu.dma_semaphore, #tpu.memory_space<semaphore_mem>>
          %dma_start3A_193 = arith.constant 0 : i32
          %dma_start3A_194 = tpu.memref_slice %arg12[%mul3A_191, %dma_start3A_193] : memref<10016x128xf32, #tpu.memory_space<vmem_shared>> -> memref<80x128xf32, #tpu.memory_space<vmem_shared>>
          %dma_start3A_195 = arith.constant 0 : i32
          %dma_start3A_196 = tpu.memref_slice %arg12[%mul3A_191, %dma_start3A_195] : memref<10016x128xf32, #tpu.memory_space<vmem_shared>> -> memref<80x128xf32, #tpu.memory_space<vmem_shared>>
          tpu.enqueue_dma source(%arg13 : memref<80x128xf32, #tpu.memory_space<vmem>>) target(%dma_start3A_196 : memref<80x128xf32, #tpu.memory_space<vmem_shared>>) target_semaphore(%run_scoped3A_192 : memref<!tpu.dma_semaphore, #tpu.memory_space<semaphore_mem>>)
          %dma_wait3A_197 = arith.constant 0 : i32
          %dma_wait3A_198 = tpu.memref_slice %arg12[%mul3A_191, %dma_wait3A_197] : memref<10016x128xf32, #tpu.memory_space<vmem_shared>> -> memref<80x128xf32, #tpu.memory_space<vmem_shared>>
          %dma_wait3A_199 = arith.constant 0 : i32
          %dma_wait3A_200 = tpu.memref_slice %arg12[%mul3A_191, %dma_wait3A_199] : memref<10016x128xf32, #tpu.memory_space<vmem_shared>> -> memref<80x128xf32, #tpu.memory_space<vmem_shared>>
          tpu.wait_dma2 semaphore(%run_scoped3A_192 : memref<!tpu.dma_semaphore, #tpu.memory_space<semaphore_mem>>) src(%arg13 : memref<80x128xf32, #tpu.memory_space<vmem>>) dst(%dma_wait3A_200 : memref<80x128xf32, #tpu.memory_space<vmem_shared>>)
          tpu.yield
        }) : () -> ()
      } else {
      }
    }
    %scan3A_45 = arith.constant 8 : i32
    %barrier3A = arith.constant 0 : index
    tpu.barrier barrier_id(%barrier3A)
    %broadcast_in_dim3A = arith.constant 1.000000e+00 : f32
    %broadcast_in_dim3A_46 = vector.broadcast %broadcast_in_dim3A : f32 to vector<16xf32>
    %dma_start3A_47 = arith.constant 0 : i32
    %dma_start3A_48 = arith.constant 0 : i32
    %dma_start3A_49 = arith.constant 0 : i32
    %dma_start3A_50 = tpu.memref_slice %arg9[%dma_start3A_47, %dma_start3A_48, %dma_start3A_49] : memref<2x8x80xi32, #tpu.memory_space<vmem>> -> memref<1x1x80xi32, #tpu.memory_space<vmem>>
    %dma_start3A_51 = tpu.memref_squeeze %dma_start3A_50 : memref<1x1x80xi32, #tpu.memory_space<vmem>> -> memref<80xi32, #tpu.memory_space<vmem>>
    %dma_start3A_52 = arith.constant 0 : i32
    %dma_start3A_53 = arith.constant 0 : i32
    %dma_start3A_54 = tpu.memref_slice %arg2[%dma_start3A_52, %dma_start3A_53] : memref<10000x128xf32, #tpu.memory_space<hbm>> -> memref<10000x128xf32, #tpu.memory_space<hbm>>
    tpu.enqueue_indirect_dma source(%dma_start3A_54 : memref<10000x128xf32, #tpu.memory_space<hbm>>) target(%arg13 : memref<80x128xf32, #tpu.memory_space<vmem>>) offsets(%dma_start3A_51 : memref<80xi32, #tpu.memory_space<vmem>>) semaphore(%arg16 : memref<!tpu.dma_semaphore, #tpu.memory_space<semaphore_mem>>)
    %dma_start3A_55 = arith.constant 0 : i32
    %dma_start3A_56 = arith.constant 1 : i32
    %dma_start3A_57 = arith.constant 0 : i32
    %dma_start3A_58 = tpu.memref_slice %arg9[%dma_start3A_55, %dma_start3A_56, %dma_start3A_57] : memref<2x8x80xi32, #tpu.memory_space<vmem>> -> memref<1x1x80xi32, #tpu.memory_space<vmem>>
    %dma_start3A_59 = tpu.memref_squeeze %dma_start3A_58 : memref<1x1x80xi32, #tpu.memory_space<vmem>> -> memref<80xi32, #tpu.memory_space<vmem>>
    %dma_start3A_60 = arith.constant 0 : i32
    %dma_start3A_61 = arith.constant 0 : i32
    %dma_start3A_62 = tpu.memref_slice %arg2[%dma_start3A_60, %dma_start3A_61] : memref<10000x128xf32, #tpu.memory_space<hbm>> -> memref<10000x128xf32, #tpu.memory_space<hbm>>
    tpu.enqueue_indirect_dma source(%dma_start3A_62 : memref<10000x128xf32, #tpu.memory_space<hbm>>) target(%arg14 : memref<80x128xf32, #tpu.memory_space<vmem>>) offsets(%dma_start3A_59 : memref<80xi32, #tpu.memory_space<vmem>>) semaphore(%arg17 : memref<!tpu.dma_semaphore, #tpu.memory_space<semaphore_mem>>)
    %dma_start3A_63 = arith.constant 0 : i32
    %dma_start3A_64 = arith.constant 2 : i32
    %dma_start3A_65 = arith.constant 0 : i32
    %dma_start3A_66 = tpu.memref_slice %arg9[%dma_start3A_63, %dma_start3A_64, %dma_start3A_65] : memref<2x8x80xi32, #tpu.memory_space<vmem>> -> memref<1x1x80xi32, #tpu.memory_space<vmem>>
    %dma_start3A_67 = tpu.memref_squeeze %dma_start3A_66 : memref<1x1x80xi32, #tpu.memory_space<vmem>> -> memref<80xi32, #tpu.memory_space<vmem>>
    %dma_start3A_68 = arith.constant 0 : i32
    %dma_start3A_69 = arith.constant 0 : i32
    %dma_start3A_70 = tpu.memref_slice %arg2[%dma_start3A_68, %dma_start3A_69] : memref<10000x128xf32, #tpu.memory_space<hbm>> -> memref<10000x128xf32, #tpu.memory_space<hbm>>
    tpu.enqueue_indirect_dma source(%dma_start3A_70 : memref<10000x128xf32, #tpu.memory_space<hbm>>) target(%arg15 : memref<80x128xf32, #tpu.memory_space<vmem>>) offsets(%dma_start3A_67 : memref<80xi32, #tpu.memory_space<vmem>>) semaphore(%arg18 : memref<!tpu.dma_semaphore, #tpu.memory_space<semaphore_mem>>)
    %scan3A_71 = arith.constant 0 : i32
    %scan3A_72 = arith.constant 0 : i32
    %scan3A_73 = arith.constant 21 : i32
    %scan3A_74 = arith.addi %scan3A_72, %scan3A_73 : i32
    %scan3A_75 = arith.constant 1 : i32
    scf.for %scan3A_181 = %scan3A_72 to %scan3A_74 step %scan3A_75  : i32 {
      %mul3A_182 = arith.constant 2 : i32
      %mul3A_183 = arith.muli %mul3A_182, %scan3A_181 : i32
      %dma_wait3A_184 = arith.constant 0 : i32
      %dma_wait3A_185 = arith.constant 0 : i32
      %dma_wait3A_186 = arith.constant 0 : i32
      %dma_wait3A_187 = tpu.memref_slice %arg9[%dma_wait3A_184, %dma_wait3A_185, %dma_wait3A_186] : memref<2x8x80xi32, #tpu.memory_space<vmem>> -> memref<1x1x80xi32, #tpu.memory_space<vmem>>
      %dma_wait3A_188 = tpu.memref_squeeze %dma_wait3A_187 : memref<1x1x80xi32, #tpu.memory_space<vmem>> -> memref<80xi32, #tpu.memory_space<vmem>>
      %dma_wait3A_189 = arith.constant 0 : i32
      %dma_wait3A_190 = arith.constant 0 : i32
      %dma_wait3A_191 = tpu.memref_slice %arg2[%dma_wait3A_189, %dma_wait3A_190] : memref<10000x128xf32, #tpu.memory_space<hbm>> -> memref<10000x128xf32, #tpu.memory_space<hbm>>
      tpu.wait_indirect_dma semaphore(%arg16 : memref<!tpu.dma_semaphore, #tpu.memory_space<semaphore_mem>>) src(%dma_wait3A_191 : memref<10000x128xf32, #tpu.memory_space<hbm>>) dst(%arg13 : memref<80x128xf32, #tpu.memory_space<vmem>>)
      %dma_start3A_192 = arith.constant 0 : i32
      %dma_start3A_193 = arith.constant 0 : i32
      %dma_start3A_194 = arith.constant 0 : i32
      %dma_start3A_195 = tpu.memref_slice %arg10[%dma_start3A_192, %dma_start3A_193, %dma_start3A_194] : memref<2x8x80xi32, #tpu.memory_space<vmem>> -> memref<1x1x80xi32, #tpu.memory_space<vmem>>
      %dma_start3A_196 = tpu.memref_squeeze %dma_start3A_195 : memref<1x1x80xi32, #tpu.memory_space<vmem>> -> memref<80xi32, #tpu.memory_space<vmem>>
      %dma_start3A_197 = arith.constant 0 : i32
      %dma_start3A_198 = arith.constant 0 : i32
      %dma_start3A_199 = tpu.memref_slice %arg12[%dma_start3A_197, %dma_start3A_198] : memref<10016x128xf32, #tpu.memory_space<vmem_shared>> -> memref<10016x128xf32, #tpu.memory_space<vmem_shared>>
      tpu.enqueue_indirect_dma source(%arg13 : memref<80x128xf32, #tpu.memory_space<vmem>>) target(%dma_start3A_199 : memref<10016x128xf32, #tpu.memory_space<vmem_shared>>) offsets(%dma_start3A_196 : memref<80xi32, #tpu.memory_space<vmem>>) semaphore(%arg19 : memref<!tpu.dma_semaphore, #tpu.memory_space<semaphore_mem>>) {add = true}
      %get3A = arith.constant 0 : i32
      %get3A_200 = arith.constant 0 : i32
      %get3A_201 = arith.index_cast %get3A : i32 to index
      %get3A_202 = arith.index_cast %get3A_200 : i32 to index
      %get3A_203 = arith.constant 0 : index
      %get3A_204 = tpu.vector_load %arg10[%get3A_201, %get3A_202, %get3A_203] {strides = array<i32>} : memref<2x8x80xi32, #tpu.memory_space<vmem>>, vector<16xi32>,
      tpu.vector_store_idx %arg11[%get3A_204], %broadcast_in_dim3A_46 {add = true} : memref<10240xf32, #tpu.memory_space<vmem>>[vector<16xi32>], vector<16xf32>,
      %get3A_205 = arith.constant 0 : i32
      %get3A_206 = arith.constant 0 : i32
      %get3A_207 = arith.index_cast %get3A_205 : i32 to index
      %get3A_208 = arith.index_cast %get3A_206 : i32 to index
      %get3A_209 = arith.constant 16 : index
      %get3A_210 = tpu.vector_load %arg10[%get3A_207, %get3A_208, %get3A_209] {strides = array<i32>} : memref<2x8x80xi32, #tpu.memory_space<vmem>>, vector<16xi32>,
      tpu.vector_store_idx %arg11[%get3A_210], %broadcast_in_dim3A_46 {add = true} : memref<10240xf32, #tpu.memory_space<vmem>>[vector<16xi32>], vector<16xf32>,
      %get3A_211 = arith.constant 0 : i32
      %get3A_212 = arith.constant 0 : i32
      %get3A_213 = arith.index_cast %get3A_211 : i32 to index
      %get3A_214 = arith.index_cast %get3A_212 : i32 to index
      %get3A_215 = arith.constant 32 : index
      %get3A_216 = tpu.vector_load %arg10[%get3A_213, %get3A_214, %get3A_215] {strides = array<i32>} : memref<2x8x80xi32, #tpu.memory_space<vmem>>, vector<16xi32>,
      tpu.vector_store_idx %arg11[%get3A_216], %broadcast_in_dim3A_46 {add = true} : memref<10240xf32, #tpu.memory_space<vmem>>[vector<16xi32>], vector<16xf32>,
      %get3A_217 = arith.constant 0 : i32
      %get3A_218 = arith.constant 0 : i32
      %get3A_219 = arith.index_cast %get3A_217 : i32 to index
      %get3A_220 = arith.index_cast %get3A_218 : i32 to index
      %get3A_221 = arith.constant 48 : index
      %get3A_222 = tpu.vector_load %arg10[%get3A_219, %get3A_220, %get3A_221] {strides = array<i32>} : memref<2x8x80xi32, #tpu.memory_space<vmem>>, vector<16xi32>,
      tpu.vector_store_idx %arg11[%get3A_222], %broadcast_in_dim3A_46 {add = true} : memref<10240xf32, #tpu.memory_space<vmem>>[vector<16xi32>], vector<16xf32>,
      %get3A_223 = arith.constant 0 : i32
      %get3A_224 = arith.constant 0 : i32
      %get3A_225 = arith.index_cast %get3A_223 : i32 to index
      %get3A_226 = arith.index_cast %get3A_224 : i32 to index
      %get3A_227 = arith.constant 64 : index
      %get3A_228 = tpu.vector_load %arg10[%get3A_225, %get3A_226, %get3A_227] {strides = array<i32>} : memref<2x8x80xi32, #tpu.memory_space<vmem>>, vector<16xi32>,
      tpu.vector_store_idx %arg11[%get3A_228], %broadcast_in_dim3A_46 {add = true} : memref<10240xf32, #tpu.memory_space<vmem>>[vector<16xi32>], vector<16xf32>,
      %dma_wait3A_229 = arith.constant 0 : i32
      %dma_wait3A_230 = arith.constant 1 : i32
      %dma_wait3A_231 = arith.constant 0 : i32
      %dma_wait3A_232 = tpu.memref_slice %arg9[%dma_wait3A_229, %dma_wait3A_230, %dma_wait3A_231] : memref<2x8x80xi32, #tpu.memory_space<vmem>> -> memref<1x1x80xi32, #tpu.memory_space<vmem>>
      %dma_wait3A_233 = tpu.memref_squeeze %dma_wait3A_232 : memref<1x1x80xi32, #tpu.memory_space<vmem>> -> memref<80xi32, #tpu.memory_space<vmem>>
      %dma_wait3A_234 = arith.constant 0 : i32
      %dma_wait3A_235 = arith.constant 0 : i32
      %dma_wait3A_236 = tpu.memref_slice %arg2[%dma_wait3A_234, %dma_wait3A_235] : memref<10000x128xf32, #tpu.memory_space<hbm>> -> memref<10000x128xf32, #tpu.memory_space<hbm>>
      tpu.wait_indirect_dma semaphore(%arg17 : memref<!tpu.dma_semaphore, #tpu.memory_space<semaphore_mem>>) src(%dma_wait3A_236 : memref<10000x128xf32, #tpu.memory_space<hbm>>) dst(%arg14 : memref<80x128xf32, #tpu.memory_space<vmem>>)
      %dma_start3A_237 = arith.constant 0 : i32
      %dma_start3A_238 = arith.constant 1 : i32
      %dma_start3A_239 = arith.constant 0 : i32
      %dma_start3A_240 = tpu.memref_slice %arg10[%dma_start3A_237, %dma_start3A_238, %dma_start3A_239] : memref<2x8x80xi32, #tpu.memory_space<vmem>> -> memref<1x1x80xi32, #tpu.memory_space<vmem>>
      %dma_start3A_241 = tpu.memref_squeeze %dma_start3A_240 : memref<1x1x80xi32, #tpu.memory_space<vmem>> -> memref<80xi32, #tpu.memory_space<vmem>>
      %dma_start3A_242 = arith.constant 0 : i32
      %dma_start3A_243 = arith.constant 0 : i32
      %dma_start3A_244 = tpu.memref_slice %arg12[%dma_start3A_242, %dma_start3A_243] : memref<10016x128xf32, #tpu.memory_space<vmem_shared>> -> memref<10016x128xf32, #tpu.memory_space<vmem_shared>>
      tpu.enqueue_indirect_dma source(%arg14 : memref<80x128xf32, #tpu.memory_space<vmem>>) target(%dma_start3A_244 : memref<10016x128xf32, #tpu.memory_space<vmem_shared>>) offsets(%dma_start3A_241 : memref<80xi32, #tpu.memory_space<vmem>>) semaphore(%arg20 : memref<!tpu.dma_semaphore, #tpu.memory_space<semaphore_mem>>) {add = true}
      %get3A_245 = arith.constant 0 : i32
      %get3A_246 = arith.constant 1 : i32
      %get3A_247 = arith.index_cast %get3A_245 : i32 to index
      %get3A_248 = arith.index_cast %get3A_246 : i32 to index
      %get3A_249 = arith.constant 0 : index
      %get3A_250 = tpu.vector_load %arg10[%get3A_247, %get3A_248, %get3A_249] {strides = array<i32>} : memref<2x8x80xi32, #tpu.memory_space<vmem>>, vector<16xi32>,
      tpu.vector_store_idx %arg11[%get3A_250], %broadcast_in_dim3A_46 {add = true} : memref<10240xf32, #tpu.memory_space<vmem>>[vector<16xi32>], vector<16xf32>,
      %get3A_251 = arith.constant 0 : i32
      %get3A_252 = arith.constant 1 : i32
      %get3A_253 = arith.index_cast %get3A_251 : i32 to index
      %get3A_254 = arith.index_cast %get3A_252 : i32 to index
      %get3A_255 = arith.constant 16 : index
      %get3A_256 = tpu.vector_load %arg10[%get3A_253, %get3A_254, %get3A_255] {strides = array<i32>} : memref<2x8x80xi32, #tpu.memory_space<vmem>>, vector<16xi32>,
      tpu.vector_store_idx %arg11[%get3A_256], %broadcast_in_dim3A_46 {add = true} : memref<10240xf32, #tpu.memory_space<vmem>>[vector<16xi32>], vector<16xf32>,
      %get3A_257 = arith.constant 0 : i32
      %get3A_258 = arith.constant 1 : i32
      %get3A_259 = arith.index_cast %get3A_257 : i32 to index
      %get3A_260 = arith.index_cast %get3A_258 : i32 to index
      %get3A_261 = arith.constant 32 : index
      %get3A_262 = tpu.vector_load %arg10[%get3A_259, %get3A_260, %get3A_261] {strides = array<i32>} : memref<2x8x80xi32, #tpu.memory_space<vmem>>, vector<16xi32>,
      tpu.vector_store_idx %arg11[%get3A_262], %broadcast_in_dim3A_46 {add = true} : memref<10240xf32, #tpu.memory_space<vmem>>[vector<16xi32>], vector<16xf32>,
      %get3A_263 = arith.constant 0 : i32
      %get3A_264 = arith.constant 1 : i32
      %get3A_265 = arith.index_cast %get3A_263 : i32 to index
      %get3A_266 = arith.index_cast %get3A_264 : i32 to index
      %get3A_267 = arith.constant 48 : index
      %get3A_268 = tpu.vector_load %arg10[%get3A_265, %get3A_266, %get3A_267] {strides = array<i32>} : memref<2x8x80xi32, #tpu.memory_space<vmem>>, vector<16xi32>,
      tpu.vector_store_idx %arg11[%get3A_268], %broadcast_in_dim3A_46 {add = true} : memref<10240xf32, #tpu.memory_space<vmem>>[vector<16xi32>], vector<16xf32>,
      %get3A_269 = arith.constant 0 : i32
      %get3A_270 = arith.constant 1 : i32
      %get3A_271 = arith.index_cast %get3A_269 : i32 to index
      %get3A_272 = arith.index_cast %get3A_270 : i32 to index
      %get3A_273 = arith.constant 64 : index
      %get3A_274 = tpu.vector_load %arg10[%get3A_271, %get3A_272, %get3A_273] {strides = array<i32>} : memref<2x8x80xi32, #tpu.memory_space<vmem>>, vector<16xi32>,
      tpu.vector_store_idx %arg11[%get3A_274], %broadcast_in_dim3A_46 {add = true} : memref<10240xf32, #tpu.memory_space<vmem>>[vector<16xi32>], vector<16xf32>,
      %dma_wait3A_275 = arith.constant 0 : i32
      %dma_wait3A_276 = arith.constant 2 : i32
      %dma_wait3A_277 = arith.constant 0 : i32
      %dma_wait3A_278 = tpu.memref_slice %arg9[%dma_wait3A_275, %dma_wait3A_276, %dma_wait3A_277] : memref<2x8x80xi32, #tpu.memory_space<vmem>> -> memref<1x1x80xi32, #tpu.memory_space<vmem>>
      %dma_wait3A_279 = tpu.memref_squeeze %dma_wait3A_278 : memref<1x1x80xi32, #tpu.memory_space<vmem>> -> memref<80xi32, #tpu.memory_space<vmem>>
      %dma_wait3A_280 = arith.constant 0 : i32
      %dma_wait3A_281 = arith.constant 0 : i32
      %dma_wait3A_282 = tpu.memref_slice %arg2[%dma_wait3A_280, %dma_wait3A_281] : memref<10000x128xf32, #tpu.memory_space<hbm>> -> memref<10000x128xf32, #tpu.memory_space<hbm>>
      tpu.wait_indirect_dma semaphore(%arg18 : memref<!tpu.dma_semaphore, #tpu.memory_space<semaphore_mem>>) src(%dma_wait3A_282 : memref<10000x128xf32, #tpu.memory_space<hbm>>) dst(%arg15 : memref<80x128xf32, #tpu.memory_space<vmem>>)
      %dma_start3A_283 = arith.constant 0 : i32
      %dma_start3A_284 = arith.constant 2 : i32
      %dma_start3A_285 = arith.constant 0 : i32
      %dma_start3A_286 = tpu.memref_slice %arg10[%dma_start3A_283, %dma_start3A_284, %dma_start3A_285] : memref<2x8x80xi32, #tpu.memory_space<vmem>> -> memref<1x1x80xi32, #tpu.memory_space<vmem>>
      %dma_start3A_287 = tpu.memref_squeeze %dma_start3A_286 : memref<1x1x80xi32, #tpu.memory_space<vmem>> -> memref<80xi32, #tpu.memory_space<vmem>>
      %dma_start3A_288 = arith.constant 0 : i32
      %dma_start3A_289 = arith.constant 0 : i32
      %dma_start3A_290 = tpu.memref_slice %arg12[%dma_start3A_288, %dma_start3A_289] : memref<10016x128xf32, #tpu.memory_space<vmem_shared>> -> memref<10016x128xf32, #tpu.memory_space<vmem_shared>>
      tpu.enqueue_indirect_dma source(%arg15 : memref<80x128xf32, #tpu.memory_space<vmem>>) target(%dma_start3A_290 : memref<10016x128xf32, #tpu.memory_space<vmem_shared>>) offsets(%dma_start3A_287 : memref<80xi32, #tpu.memory_space<vmem>>) semaphore(%arg21 : memref<!tpu.dma_semaphore, #tpu.memory_space<semaphore_mem>>) {add = true}
      %get3A_291 = arith.constant 0 : i32
      %get3A_292 = arith.constant 2 : i32
      %get3A_293 = arith.index_cast %get3A_291 : i32 to index
      %get3A_294 = arith.index_cast %get3A_292 : i32 to index
      %get3A_295 = arith.constant 0 : index
      %get3A_296 = tpu.vector_load %arg10[%get3A_293, %get3A_294, %get3A_295] {strides = array<i32>} : memref<2x8x80xi32, #tpu.memory_space<vmem>>, vector<16xi32>,
      tpu.vector_store_idx %arg11[%get3A_296], %broadcast_in_dim3A_46 {add = true} : memref<10240xf32, #tpu.memory_space<vmem>>[vector<16xi32>], vector<16xf32>,
      %get3A_297 = arith.constant 0 : i32
      %get3A_298 = arith.constant 2 : i32
      %get3A_299 = arith.index_cast %get3A_297 : i32 to index
      %get3A_300 = arith.index_cast %get3A_298 : i32 to index
      %get3A_301 = arith.constant 16 : index
      %get3A_302 = tpu.vector_load %arg10[%get3A_299, %get3A_300, %get3A_301] {strides = array<i32>} : memref<2x8x80xi32, #tpu.memory_space<vmem>>, vector<16xi32>,
      tpu.vector_store_idx %arg11[%get3A_302], %broadcast_in_dim3A_46 {add = true} : memref<10240xf32, #tpu.memory_space<vmem>>[vector<16xi32>], vector<16xf32>,
      %get3A_303 = arith.constant 0 : i32
      %get3A_304 = arith.constant 2 : i32
      %get3A_305 = arith.index_cast %get3A_303 : i32 to index
      %get3A_306 = arith.index_cast %get3A_304 : i32 to index
      %get3A_307 = arith.constant 32 : index
      %get3A_308 = tpu.vector_load %arg10[%get3A_305, %get3A_306, %get3A_307] {strides = array<i32>} : memref<2x8x80xi32, #tpu.memory_space<vmem>>, vector<16xi32>,
      tpu.vector_store_idx %arg11[%get3A_308], %broadcast_in_dim3A_46 {add = true} : memref<10240xf32, #tpu.memory_space<vmem>>[vector<16xi32>], vector<16xf32>,
      %get3A_309 = arith.constant 0 : i32
      %get3A_310 = arith.constant 2 : i32
      %get3A_311 = arith.index_cast %get3A_309 : i32 to index
      %get3A_312 = arith.index_cast %get3A_310 : i32 to index
      %get3A_313 = arith.constant 48 : index
      %get3A_314 = tpu.vector_load %arg10[%get3A_311, %get3A_312, %get3A_313] {strides = array<i32>} : memref<2x8x80xi32, #tpu.memory_space<vmem>>, vector<16xi32>,
      tpu.vector_store_idx %arg11[%get3A_314], %broadcast_in_dim3A_46 {add = true} : memref<10240xf32, #tpu.memory_space<vmem>>[vector<16xi32>], vector<16xf32>,
      %get3A_315 = arith.constant 0 : i32
      %get3A_316 = arith.constant 2 : i32
      %get3A_317 = arith.index_cast %get3A_315 : i32 to index
      %get3A_318 = arith.index_cast %get3A_316 : i32 to index
      %get3A_319 = arith.constant 64 : index
      %get3A_320 = tpu.vector_load %arg10[%get3A_317, %get3A_318, %get3A_319] {strides = array<i32>} : memref<2x8x80xi32, #tpu.memory_space<vmem>>, vector<16xi32>,
      tpu.vector_store_idx %arg11[%get3A_320], %broadcast_in_dim3A_46 {add = true} : memref<10240xf32, #tpu.memory_space<vmem>>[vector<16xi32>], vector<16xf32>,
      %lt3A_321 = arith.constant 41 : i32
      %lt3A_322 = arith.cmpi slt, %mul3A_183, %lt3A_321 : i32
      %convert_element_type3A_323 = arith.extui %lt3A_322 : i1 to i32
      %cond3A_324 = arith.constant 0 : i32
      %cond3A_325 = arith.cmpi ne, %convert_element_type3A_323, %cond3A_324 : i32
      scf.if %cond3A_325 {
        %dma_wait3A_561 = arith.constant 1 : i32
        %dma_wait3A_562 = arith.constant 0 : i32
        %dma_wait3A_563 = arith.constant 0 : i32
        %dma_wait3A_564 = tpu.memref_slice %arg9[%dma_wait3A_561, %dma_wait3A_562, %dma_wait3A_563] : memref<2x8x80xi32, #tpu.memory_space<vmem>> -> memref<1x8x80xi32, #tpu.memory_space<vmem>>
        %dma_wait3A_565 = tpu.memref_squeeze %dma_wait3A_564 : memref<1x8x80xi32, #tpu.memory_space<vmem>> -> memref<8x80xi32, #tpu.memory_space<vmem>>
        %dma_wait3A_566 = arith.constant 0 : i32
        %dma_wait3A_567 = arith.constant 0 : i32
        %dma_wait3A_568 = tpu.memref_slice %arg3[%mul3A_2, %dma_wait3A_566, %dma_wait3A_567] : memref<1344x8x80xi32, #tpu.memory_space<hbm>> -> memref<1x8x80xi32, #tpu.memory_space<hbm>>
        %dma_wait3A_569 = tpu.memref_squeeze %dma_wait3A_568 : memref<1x8x80xi32, #tpu.memory_space<hbm>> -> memref<8x80xi32, #tpu.memory_space<hbm>>
        %dma_wait3A_570 = arith.constant 0 : i32
        %dma_wait3A_571 = arith.constant 0 : i32
        %dma_wait3A_572 = tpu.memref_slice %arg9[%dma_wait3A_561, %dma_wait3A_570, %dma_wait3A_571] : memref<2x8x80xi32, #tpu.memory_space<vmem>> -> memref<1x8x80xi32, #tpu.memory_space<vmem>>
        %dma_wait3A_573 = tpu.memref_squeeze %dma_wait3A_572 : memref<1x8x80xi32, #tpu.memory_space<vmem>> -> memref<8x80xi32, #tpu.memory_space<vmem>>
        %dma_wait3A_574 = arith.constant 0 : i32
        %dma_wait3A_575 = arith.constant 0 : i32
        %dma_wait3A_576 = tpu.memref_slice %arg3[%mul3A_2, %dma_wait3A_574, %dma_wait3A_575] : memref<1344x8x80xi32, #tpu.memory_space<hbm>> -> memref<1x8x80xi32, #tpu.memory_space<hbm>>
        %dma_wait3A_577 = tpu.memref_squeeze %dma_wait3A_576 : memref<1x8x80xi32, #tpu.memory_space<hbm>> -> memref<8x80xi32, #tpu.memory_space<hbm>>
        tpu.wait_dma2 semaphore(%arg23 : memref<!tpu.dma_semaphore, #tpu.memory_space<semaphore_mem>>) src(%dma_wait3A_577 : memref<8x80xi32, #tpu.memory_space<hbm>>) dst(%dma_wait3A_573 : memref<8x80xi32, #tpu.memory_space<vmem>>)
        %dma_wait3A_578 = arith.constant 1 : i32
        %dma_wait3A_579 = arith.constant 0 : i32
        %dma_wait3A_580 = arith.constant 0 : i32
        %dma_wait3A_581 = tpu.memref_slice %arg10[%dma_wait3A_578, %dma_wait3A_579, %dma_wait3A_580] : memref<2x8x80xi32, #tpu.memory_space<vmem>> -> memref<1x8x80xi32, #tpu.memory_space<vmem>>
        %dma_wait3A_582 = tpu.memref_squeeze %dma_wait3A_581 : memref<1x8x80xi32, #tpu.memory_space<vmem>> -> memref<8x80xi32, #tpu.memory_space<vmem>>
        %dma_wait3A_583 = arith.constant 0 : i32
        %dma_wait3A_584 = arith.constant 0 : i32
        %dma_wait3A_585 = tpu.memref_slice %arg4[%mul3A_2, %dma_wait3A_583, %dma_wait3A_584] : memref<1344x8x80xi32, #tpu.memory_space<hbm>> -> memref<1x8x80xi32, #tpu.memory_space<hbm>>
        %dma_wait3A_586 = tpu.memref_squeeze %dma_wait3A_585 : memref<1x8x80xi32, #tpu.memory_space<hbm>> -> memref<8x80xi32, #tpu.memory_space<hbm>>
        %dma_wait3A_587 = arith.constant 0 : i32
        %dma_wait3A_588 = arith.constant 0 : i32
        %dma_wait3A_589 = tpu.memref_slice %arg10[%dma_wait3A_578, %dma_wait3A_587, %dma_wait3A_588] : memref<2x8x80xi32, #tpu.memory_space<vmem>> -> memref<1x8x80xi32, #tpu.memory_space<vmem>>
        %dma_wait3A_590 = tpu.memref_squeeze %dma_wait3A_589 : memref<1x8x80xi32, #tpu.memory_space<vmem>> -> memref<8x80xi32, #tpu.memory_space<vmem>>
        %dma_wait3A_591 = arith.constant 0 : i32
        %dma_wait3A_592 = arith.constant 0 : i32
        %dma_wait3A_593 = tpu.memref_slice %arg4[%mul3A_2, %dma_wait3A_591, %dma_wait3A_592] : memref<1344x8x80xi32, #tpu.memory_space<hbm>> -> memref<1x8x80xi32, #tpu.memory_space<hbm>>
        %dma_wait3A_594 = tpu.memref_squeeze %dma_wait3A_593 : memref<1x8x80xi32, #tpu.memory_space<hbm>> -> memref<8x80xi32, #tpu.memory_space<hbm>>
        tpu.wait_dma2 semaphore(%arg23 : memref<!tpu.dma_semaphore, #tpu.memory_space<semaphore_mem>>) src(%dma_wait3A_594 : memref<8x80xi32, #tpu.memory_space<hbm>>) dst(%dma_wait3A_590 : memref<8x80xi32, #tpu.memory_space<vmem>>)
      } else {
      }
      %dma_wait3A_326 = arith.constant 0 : i32
      %dma_wait3A_327 = arith.constant 0 : i32
      %dma_wait3A_328 = arith.constant 0 : i32
      %dma_wait3A_329 = tpu.memref_slice %arg10[%dma_wait3A_326, %dma_wait3A_327, %dma_wait3A_328] : memref<2x8x80xi32, #tpu.memory_space<vmem>> -> memref<1x1x80xi32, #tpu.memory_space<vmem>>
      %dma_wait3A_330 = tpu.memref_squeeze %dma_wait3A_329 : memref<1x1x80xi32, #tpu.memory_space<vmem>> -> memref<80xi32, #tpu.memory_space<vmem>>
      %dma_wait3A_331 = arith.constant 0 : i32
      %dma_wait3A_332 = arith.constant 0 : i32
      %dma_wait3A_333 = tpu.memref_slice %arg12[%dma_wait3A_331, %dma_wait3A_332] : memref<10016x128xf32, #tpu.memory_space<vmem_shared>> -> memref<10016x128xf32, #tpu.memory_space<vmem_shared>>
      tpu.wait_indirect_dma semaphore(%arg19 : memref<!tpu.dma_semaphore, #tpu.memory_space<semaphore_mem>>) src(%arg13 : memref<80x128xf32, #tpu.memory_space<vmem>>) dst(%dma_wait3A_333 : memref<10016x128xf32, #tpu.memory_space<vmem_shared>>)
      %lt3A_334 = arith.constant 41 : i32
      %lt3A_335 = arith.cmpi slt, %mul3A_183, %lt3A_334 : i32
      %convert_element_type3A_336 = arith.extui %lt3A_335 : i1 to i32
      %cond3A_337 = arith.constant 0 : i32
      %cond3A_338 = arith.cmpi ne, %convert_element_type3A_336, %cond3A_337 : i32
      scf.if %cond3A_338 {
        %dma_start3A_561 = arith.constant 1 : i32
        %dma_start3A_562 = arith.constant 0 : i32
        %dma_start3A_563 = arith.constant 0 : i32
        %dma_start3A_564 = tpu.memref_slice %arg9[%dma_start3A_561, %dma_start3A_562, %dma_start3A_563] : memref<2x8x80xi32, #tpu.memory_space<vmem>> -> memref<1x1x80xi32, #tpu.memory_space<vmem>>
        %dma_start3A_565 = tpu.memref_squeeze %dma_start3A_564 : memref<1x1x80xi32, #tpu.memory_space<vmem>> -> memref<80xi32, #tpu.memory_space<vmem>>
        %dma_start3A_566 = arith.constant 0 : i32
        %dma_start3A_567 = arith.constant 0 : i32
        %dma_start3A_568 = tpu.memref_slice %arg2[%dma_start3A_566, %dma_start3A_567] : memref<10000x128xf32, #tpu.memory_space<hbm>> -> memref<10000x128xf32, #tpu.memory_space<hbm>>
        tpu.enqueue_indirect_dma source(%dma_start3A_568 : memref<10000x128xf32, #tpu.memory_space<hbm>>) target(%arg13 : memref<80x128xf32, #tpu.memory_space<vmem>>) offsets(%dma_start3A_565 : memref<80xi32, #tpu.memory_space<vmem>>) semaphore(%arg16 : memref<!tpu.dma_semaphore, #tpu.memory_space<semaphore_mem>>)
      } else {
      }
      %dma_wait3A_339 = arith.constant 0 : i32
      %dma_wait3A_340 = arith.constant 1 : i32
      %dma_wait3A_341 = arith.constant 0 : i32
      %dma_wait3A_342 = tpu.memref_slice %arg10[%dma_wait3A_339, %dma_wait3A_340, %dma_wait3A_341] : memref<2x8x80xi32, #tpu.memory_space<vmem>> -> memref<1x1x80xi32, #tpu.memory_space<vmem>>
      %dma_wait3A_343 = tpu.memref_squeeze %dma_wait3A_342 : memref<1x1x80xi32, #tpu.memory_space<vmem>> -> memref<80xi32, #tpu.memory_space<vmem>>
      %dma_wait3A_344 = arith.constant 0 : i32
      %dma_wait3A_345 = arith.constant 0 : i32
      %dma_wait3A_346 = tpu.memref_slice %arg12[%dma_wait3A_344, %dma_wait3A_345] : memref<10016x128xf32, #tpu.memory_space<vmem_shared>> -> memref<10016x128xf32, #tpu.memory_space<vmem_shared>>
      tpu.wait_indirect_dma semaphore(%arg20 : memref<!tpu.dma_semaphore, #tpu.memory_space<semaphore_mem>>) src(%arg14 : memref<80x128xf32, #tpu.memory_space<vmem>>) dst(%dma_wait3A_346 : memref<10016x128xf32, #tpu.memory_space<vmem_shared>>)
      %lt3A_347 = arith.constant 41 : i32
      %lt3A_348 = arith.cmpi slt, %mul3A_183, %lt3A_347 : i32
      %convert_element_type3A_349 = arith.extui %lt3A_348 : i1 to i32
      %cond3A_350 = arith.constant 0 : i32
      %cond3A_351 = arith.cmpi ne, %convert_element_type3A_349, %cond3A_350 : i32
      scf.if %cond3A_351 {
        %dma_start3A_561 = arith.constant 1 : i32
        %dma_start3A_562 = arith.constant 1 : i32
        %dma_start3A_563 = arith.constant 0 : i32
        %dma_start3A_564 = tpu.memref_slice %arg9[%dma_start3A_561, %dma_start3A_562, %dma_start3A_563] : memref<2x8x80xi32, #tpu.memory_space<vmem>> -> memref<1x1x80xi32, #tpu.memory_space<vmem>>
        %dma_start3A_565 = tpu.memref_squeeze %dma_start3A_564 : memref<1x1x80xi32, #tpu.memory_space<vmem>> -> memref<80xi32, #tpu.memory_space<vmem>>
        %dma_start3A_566 = arith.constant 0 : i32
        %dma_start3A_567 = arith.constant 0 : i32
        %dma_start3A_568 = tpu.memref_slice %arg2[%dma_start3A_566, %dma_start3A_567] : memref<10000x128xf32, #tpu.memory_space<hbm>> -> memref<10000x128xf32, #tpu.memory_space<hbm>>
        tpu.enqueue_indirect_dma source(%dma_start3A_568 : memref<10000x128xf32, #tpu.memory_space<hbm>>) target(%arg14 : memref<80x128xf32, #tpu.memory_space<vmem>>) offsets(%dma_start3A_565 : memref<80xi32, #tpu.memory_space<vmem>>) semaphore(%arg17 : memref<!tpu.dma_semaphore, #tpu.memory_space<semaphore_mem>>)
      } else {
      }
      %dma_wait3A_352 = arith.constant 0 : i32
      %dma_wait3A_353 = arith.constant 2 : i32
      %dma_wait3A_354 = arith.constant 0 : i32
      %dma_wait3A_355 = tpu.memref_slice %arg10[%dma_wait3A_352, %dma_wait3A_353, %dma_wait3A_354] : memref<2x8x80xi32, #tpu.memory_space<vmem>> -> memref<1x1x80xi32, #tpu.memory_space<vmem>>
      %dma_wait3A_356 = tpu.memref_squeeze %dma_wait3A_355 : memref<1x1x80xi32, #tpu.memory_space<vmem>> -> memref<80xi32, #tpu.memory_space<vmem>>
      %dma_wait3A_357 = arith.constant 0 : i32
      %dma_wait3A_358 = arith.constant 0 : i32
      %dma_wait3A_359 = tpu.memref_slice %arg12[%dma_wait3A_357, %dma_wait3A_358] : memref<10016x128xf32, #tpu.memory_space<vmem_shared>> -> memref<10016x128xf32, #tpu.memory_space<vmem_shared>>
      tpu.wait_indirect_dma semaphore(%arg21 : memref<!tpu.dma_semaphore, #tpu.memory_space<semaphore_mem>>) src(%arg15 : memref<80x128xf32, #tpu.memory_space<vmem>>) dst(%dma_wait3A_359 : memref<10016x128xf32, #tpu.memory_space<vmem_shared>>)
      %lt3A_360 = arith.constant 41 : i32
      %lt3A_361 = arith.cmpi slt, %mul3A_183, %lt3A_360 : i32
      %convert_element_type3A_362 = arith.extui %lt3A_361 : i1 to i32
      %cond3A_363 = arith.constant 0 : i32
      %cond3A_364 = arith.cmpi ne, %convert_element_type3A_362, %cond3A_363 : i32
      scf.if %cond3A_364 {
        %dma_start3A_561 = arith.constant 1 : i32
        %dma_start3A_562 = arith.constant 2 : i32
        %dma_start3A_563 = arith.constant 0 : i32
        %dma_start3A_564 = tpu.memref_slice %arg9[%dma_start3A_561, %dma_start3A_562, %dma_start3A_563] : memref<2x8x80xi32, #tpu.memory_space<vmem>> -> memref<1x1x80xi32, #tpu.memory_space<vmem>>
        %dma_start3A_565 = tpu.memref_squeeze %dma_start3A_564 : memref<1x1x80xi32, #tpu.memory_space<vmem>> -> memref<80xi32, #tpu.memory_space<vmem>>
        %dma_start3A_566 = arith.constant 0 : i32
        %dma_start3A_567 = arith.constant 0 : i32
        %dma_start3A_568 = tpu.memref_slice %arg2[%dma_start3A_566, %dma_start3A_567] : memref<10000x128xf32, #tpu.memory_space<hbm>> -> memref<10000x128xf32, #tpu.memory_space<hbm>>
        tpu.enqueue_indirect_dma source(%dma_start3A_568 : memref<10000x128xf32, #tpu.memory_space<hbm>>) target(%arg15 : memref<80x128xf32, #tpu.memory_space<vmem>>) offsets(%dma_start3A_565 : memref<80xi32, #tpu.memory_space<vmem>>) semaphore(%arg18 : memref<!tpu.dma_semaphore, #tpu.memory_space<semaphore_mem>>)
      } else {
      }
      %lt3A_365 = arith.constant 40 : i32
      %lt3A_366 = arith.cmpi slt, %mul3A_183, %lt3A_365 : i32
      %convert_element_type3A_367 = arith.extui %lt3A_366 : i1 to i32
      %cond3A_368 = arith.constant 0 : i32
      %cond3A_369 = arith.cmpi ne, %convert_element_type3A_367, %cond3A_368 : i32
      scf.if %cond3A_369 {
        %add3A_561 = arith.addi %mul3A_2, %mul3A_183 : i32
        %add3A_562 = arith.constant 2 : i32
        %add3A_563 = arith.addi %add3A_561, %add3A_562 : i32
        %dma_start3A_564 = arith.constant 0 : i32
        %dma_start3A_565 = arith.constant 0 : i32
        %dma_start3A_566 = arith.constant 0 : i32
        %dma_start3A_567 = tpu.memref_slice %arg9[%dma_start3A_564, %dma_start3A_565, %dma_start3A_566] : memref<2x8x80xi32, #tpu.memory_space<vmem>> -> memref<1x8x80xi32, #tpu.memory_space<vmem>>
        %dma_start3A_568 = tpu.memref_squeeze %dma_start3A_567 : memref<1x8x80xi32, #tpu.memory_space<vmem>> -> memref<8x80xi32, #tpu.memory_space<vmem>>
        %dma_start3A_569 = arith.constant 0 : i32
        %dma_start3A_570 = arith.constant 0 : i32
        %dma_start3A_571 = tpu.memref_slice %arg3[%add3A_563, %dma_start3A_569, %dma_start3A_570] : memref<1344x8x80xi32, #tpu.memory_space<hbm>> -> memref<1x8x80xi32, #tpu.memory_space<hbm>>
        %dma_start3A_572 = tpu.memref_squeeze %dma_start3A_571 : memref<1x8x80xi32, #tpu.memory_space<hbm>> -> memref<8x80xi32, #tpu.memory_space<hbm>>
        %dma_start3A_573 = arith.constant 0 : i32
        %dma_start3A_574 = arith.constant 0 : i32
        %dma_start3A_575 = tpu.memref_slice %arg9[%dma_start3A_564, %dma_start3A_573, %dma_start3A_574] : memref<2x8x80xi32, #tpu.memory_space<vmem>> -> memref<1x8x80xi32, #tpu.memory_space<vmem>>
        %dma_start3A_576 = tpu.memref_squeeze %dma_start3A_575 : memref<1x8x80xi32, #tpu.memory_space<vmem>> -> memref<8x80xi32, #tpu.memory_space<vmem>>
        %dma_start3A_577 = arith.constant 0 : i32
        %dma_start3A_578 = arith.constant 0 : i32
        %dma_start3A_579 = tpu.memref_slice %arg3[%add3A_563, %dma_start3A_577, %dma_start3A_578] : memref<1344x8x80xi32, #tpu.memory_space<hbm>> -> memref<1x8x80xi32, #tpu.memory_space<hbm>>
        %dma_start3A_580 = tpu.memref_squeeze %dma_start3A_579 : memref<1x8x80xi32, #tpu.memory_space<hbm>> -> memref<8x80xi32, #tpu.memory_space<hbm>>
        tpu.enqueue_dma source(%dma_start3A_580 : memref<8x80xi32, #tpu.memory_space<hbm>>) target(%dma_start3A_576 : memref<8x80xi32, #tpu.memory_space<vmem>>) target_semaphore(%arg22 : memref<!tpu.dma_semaphore, #tpu.memory_space<semaphore_mem>>)
        %add3A_581 = arith.addi %mul3A_2, %mul3A_183 : i32
        %add3A_582 = arith.constant 2 : i32
        %add3A_583 = arith.addi %add3A_581, %add3A_582 : i32
        %dma_start3A_584 = arith.constant 0 : i32
        %dma_start3A_585 = arith.constant 0 : i32
        %dma_start3A_586 = arith.constant 0 : i32
        %dma_start3A_587 = tpu.memref_slice %arg10[%dma_start3A_584, %dma_start3A_585, %dma_start3A_586] : memref<2x8x80xi32, #tpu.memory_space<vmem>> -> memref<1x8x80xi32, #tpu.memory_space<vmem>>
        %dma_start3A_588 = tpu.memref_squeeze %dma_start3A_587 : memref<1x8x80xi32, #tpu.memory_space<vmem>> -> memref<8x80xi32, #tpu.memory_space<vmem>>
        %dma_start3A_589 = arith.constant 0 : i32
        %dma_start3A_590 = arith.constant 0 : i32
        %dma_start3A_591 = tpu.memref_slice %arg4[%add3A_583, %dma_start3A_589, %dma_start3A_590] : memref<1344x8x80xi32, #tpu.memory_space<hbm>> -> memref<1x8x80xi32, #tpu.memory_space<hbm>>
        %dma_start3A_592 = tpu.memref_squeeze %dma_start3A_591 : memref<1x8x80xi32, #tpu.memory_space<hbm>> -> memref<8x80xi32, #tpu.memory_space<hbm>>
        %dma_start3A_593 = arith.constant 0 : i32
        %dma_start3A_594 = arith.constant 0 : i32
        %dma_start3A_595 = tpu.memref_slice %arg10[%dma_start3A_584, %dma_start3A_593, %dma_start3A_594] : memref<2x8x80xi32, #tpu.memory_space<vmem>> -> memref<1x8x80xi32, #tpu.memory_space<vmem>>
        %dma_start3A_596 = tpu.memref_squeeze %dma_start3A_595 : memref<1x8x80xi32, #tpu.memory_space<vmem>> -> memref<8x80xi32, #tpu.memory_space<vmem>>
        %dma_start3A_597 = arith.constant 0 : i32
        %dma_start3A_598 = arith.constant 0 : i32
        %dma_start3A_599 = tpu.memref_slice %arg4[%add3A_583, %dma_start3A_597, %dma_start3A_598] : memref<1344x8x80xi32, #tpu.memory_space<hbm>> -> memref<1x8x80xi32, #tpu.memory_space<hbm>>
        %dma_start3A_600 = tpu.memref_squeeze %dma_start3A_599 : memref<1x8x80xi32, #tpu.memory_space<hbm>> -> memref<8x80xi32, #tpu.memory_space<hbm>>
        tpu.enqueue_dma source(%dma_start3A_600 : memref<8x80xi32, #tpu.memory_space<hbm>>) target(%dma_start3A_596 : memref<8x80xi32, #tpu.memory_space<vmem>>) target_semaphore(%arg22 : memref<!tpu.dma_semaphore, #tpu.memory_space<semaphore_mem>>)
      } else {
      }
      %mul3A_370 = arith.constant 2 : i32
      %mul3A_371 = arith.muli %mul3A_370, %scan3A_181 : i32
      %add3A_372 = arith.constant 1 : i32
      %add3A_373 = arith.addi %mul3A_371, %add3A_372 : i32
      %dma_wait3A_374 = arith.constant 1 : i32
      %dma_wait3A_375 = arith.constant 0 : i32
      %dma_wait3A_376 = arith.constant 0 : i32
      %dma_wait3A_377 = tpu.memref_slice %arg9[%dma_wait3A_374, %dma_wait3A_375, %dma_wait3A_376] : memref<2x8x80xi32, #tpu.memory_space<vmem>> -> memref<1x1x80xi32, #tpu.memory_space<vmem>>
      %dma_wait3A_378 = tpu.memref_squeeze %dma_wait3A_377 : memref<1x1x80xi32, #tpu.memory_space<vmem>> -> memref<80xi32, #tpu.memory_space<vmem>>
      %dma_wait3A_379 = arith.constant 0 : i32
      %dma_wait3A_380 = arith.constant 0 : i32
      %dma_wait3A_381 = tpu.memref_slice %arg2[%dma_wait3A_379, %dma_wait3A_380] : memref<10000x128xf32, #tpu.memory_space<hbm>> -> memref<10000x128xf32, #tpu.memory_space<hbm>>
      tpu.wait_indirect_dma semaphore(%arg16 : memref<!tpu.dma_semaphore, #tpu.memory_space<semaphore_mem>>) src(%dma_wait3A_381 : memref<10000x128xf32, #tpu.memory_space<hbm>>) dst(%arg13 : memref<80x128xf32, #tpu.memory_space<vmem>>)
      %dma_start3A_382 = arith.constant 1 : i32
      %dma_start3A_383 = arith.constant 0 : i32
      %dma_start3A_384 = arith.constant 0 : i32
      %dma_start3A_385 = tpu.memref_slice %arg10[%dma_start3A_382, %dma_start3A_383, %dma_start3A_384] : memref<2x8x80xi32, #tpu.memory_space<vmem>> -> memref<1x1x80xi32, #tpu.memory_space<vmem>>
      %dma_start3A_386 = tpu.memref_squeeze %dma_start3A_385 : memref<1x1x80xi32, #tpu.memory_space<vmem>> -> memref<80xi32, #tpu.memory_space<vmem>>
      %dma_start3A_387 = arith.constant 0 : i32
      %dma_start3A_388 = arith.constant 0 : i32
      %dma_start3A_389 = tpu.memref_slice %arg12[%dma_start3A_387, %dma_start3A_388] : memref<10016x128xf32, #tpu.memory_space<vmem_shared>> -> memref<10016x128xf32, #tpu.memory_space<vmem_shared>>
      tpu.enqueue_indirect_dma source(%arg13 : memref<80x128xf32, #tpu.memory_space<vmem>>) target(%dma_start3A_389 : memref<10016x128xf32, #tpu.memory_space<vmem_shared>>) offsets(%dma_start3A_386 : memref<80xi32, #tpu.memory_space<vmem>>) semaphore(%arg19 : memref<!tpu.dma_semaphore, #tpu.memory_space<semaphore_mem>>) {add = true}
      %get3A_390 = arith.constant 1 : i32
      %get3A_391 = arith.constant 0 : i32
      %get3A_392 = arith.index_cast %get3A_390 : i32 to index
      %get3A_393 = arith.index_cast %get3A_391 : i32 to index
      %get3A_394 = arith.constant 0 : index
      %get3A_395 = tpu.vector_load %arg10[%get3A_392, %get3A_393, %get3A_394] {strides = array<i32>} : memref<2x8x80xi32, #tpu.memory_space<vmem>>, vector<16xi32>,
      tpu.vector_store_idx %arg11[%get3A_395], %broadcast_in_dim3A_46 {add = true} : memref<10240xf32, #tpu.memory_space<vmem>>[vector<16xi32>], vector<16xf32>,
      %get3A_396 = arith.constant 1 : i32
      %get3A_397 = arith.constant 0 : i32
      %get3A_398 = arith.index_cast %get3A_396 : i32 to index
      %get3A_399 = arith.index_cast %get3A_397 : i32 to index
      %get3A_400 = arith.constant 16 : index
      %get3A_401 = tpu.vector_load %arg10[%get3A_398, %get3A_399, %get3A_400] {strides = array<i32>} : memref<2x8x80xi32, #tpu.memory_space<vmem>>, vector<16xi32>,
      tpu.vector_store_idx %arg11[%get3A_401], %broadcast_in_dim3A_46 {add = true} : memref<10240xf32, #tpu.memory_space<vmem>>[vector<16xi32>], vector<16xf32>,
      %get3A_402 = arith.constant 1 : i32
      %get3A_403 = arith.constant 0 : i32
      %get3A_404 = arith.index_cast %get3A_402 : i32 to index
      %get3A_405 = arith.index_cast %get3A_403 : i32 to index
      %get3A_406 = arith.constant 32 : index
      %get3A_407 = tpu.vector_load %arg10[%get3A_404, %get3A_405, %get3A_406] {strides = array<i32>} : memref<2x8x80xi32, #tpu.memory_space<vmem>>, vector<16xi32>,
      tpu.vector_store_idx %arg11[%get3A_407], %broadcast_in_dim3A_46 {add = true} : memref<10240xf32, #tpu.memory_space<vmem>>[vector<16xi32>], vector<16xf32>,
      %get3A_408 = arith.constant 1 : i32
      %get3A_409 = arith.constant 0 : i32
      %get3A_410 = arith.index_cast %get3A_408 : i32 to index
      %get3A_411 = arith.index_cast %get3A_409 : i32 to index
      %get3A_412 = arith.constant 48 : index
      %get3A_413 = tpu.vector_load %arg10[%get3A_410, %get3A_411, %get3A_412] {strides = array<i32>} : memref<2x8x80xi32, #tpu.memory_space<vmem>>, vector<16xi32>,
      tpu.vector_store_idx %arg11[%get3A_413], %broadcast_in_dim3A_46 {add = true} : memref<10240xf32, #tpu.memory_space<vmem>>[vector<16xi32>], vector<16xf32>,
      %get3A_414 = arith.constant 1 : i32
      %get3A_415 = arith.constant 0 : i32
      %get3A_416 = arith.index_cast %get3A_414 : i32 to index
      %get3A_417 = arith.index_cast %get3A_415 : i32 to index
      %get3A_418 = arith.constant 64 : index
      %get3A_419 = tpu.vector_load %arg10[%get3A_416, %get3A_417, %get3A_418] {strides = array<i32>} : memref<2x8x80xi32, #tpu.memory_space<vmem>>, vector<16xi32>,
      tpu.vector_store_idx %arg11[%get3A_419], %broadcast_in_dim3A_46 {add = true} : memref<10240xf32, #tpu.memory_space<vmem>>[vector<16xi32>], vector<16xf32>,
      %dma_wait3A_420 = arith.constant 1 : i32
      %dma_wait3A_421 = arith.constant 1 : i32
      %dma_wait3A_422 = arith.constant 0 : i32
      %dma_wait3A_423 = tpu.memref_slice %arg9[%dma_wait3A_420, %dma_wait3A_421, %dma_wait3A_422] : memref<2x8x80xi32, #tpu.memory_space<vmem>> -> memref<1x1x80xi32, #tpu.memory_space<vmem>>
      %dma_wait3A_424 = tpu.memref_squeeze %dma_wait3A_423 : memref<1x1x80xi32, #tpu.memory_space<vmem>> -> memref<80xi32, #tpu.memory_space<vmem>>
      %dma_wait3A_425 = arith.constant 0 : i32
      %dma_wait3A_426 = arith.constant 0 : i32
      %dma_wait3A_427 = tpu.memref_slice %arg2[%dma_wait3A_425, %dma_wait3A_426] : memref<10000x128xf32, #tpu.memory_space<hbm>> -> memref<10000x128xf32, #tpu.memory_space<hbm>>
      tpu.wait_indirect_dma semaphore(%arg17 : memref<!tpu.dma_semaphore, #tpu.memory_space<semaphore_mem>>) src(%dma_wait3A_427 : memref<10000x128xf32, #tpu.memory_space<hbm>>) dst(%arg14 : memref<80x128xf32, #tpu.memory_space<vmem>>)
      %dma_start3A_428 = arith.constant 1 : i32
      %dma_start3A_429 = arith.constant 1 : i32
      %dma_start3A_430 = arith.constant 0 : i32
      %dma_start3A_431 = tpu.memref_slice %arg10[%dma_start3A_428, %dma_start3A_429, %dma_start3A_430] : memref<2x8x80xi32, #tpu.memory_space<vmem>> -> memref<1x1x80xi32, #tpu.memory_space<vmem>>
      %dma_start3A_432 = tpu.memref_squeeze %dma_start3A_431 : memref<1x1x80xi32, #tpu.memory_space<vmem>> -> memref<80xi32, #tpu.memory_space<vmem>>
      %dma_start3A_433 = arith.constant 0 : i32
      %dma_start3A_434 = arith.constant 0 : i32
      %dma_start3A_435 = tpu.memref_slice %arg12[%dma_start3A_433, %dma_start3A_434] : memref<10016x128xf32, #tpu.memory_space<vmem_shared>> -> memref<10016x128xf32, #tpu.memory_space<vmem_shared>>
      tpu.enqueue_indirect_dma source(%arg14 : memref<80x128xf32, #tpu.memory_space<vmem>>) target(%dma_start3A_435 : memref<10016x128xf32, #tpu.memory_space<vmem_shared>>) offsets(%dma_start3A_432 : memref<80xi32, #tpu.memory_space<vmem>>) semaphore(%arg20 : memref<!tpu.dma_semaphore, #tpu.memory_space<semaphore_mem>>) {add = true}
      %get3A_436 = arith.constant 1 : i32
      %get3A_437 = arith.constant 1 : i32
      %get3A_438 = arith.index_cast %get3A_436 : i32 to index
      %get3A_439 = arith.index_cast %get3A_437 : i32 to index
      %get3A_440 = arith.constant 0 : index
      %get3A_441 = tpu.vector_load %arg10[%get3A_438, %get3A_439, %get3A_440] {strides = array<i32>} : memref<2x8x80xi32, #tpu.memory_space<vmem>>, vector<16xi32>,
      tpu.vector_store_idx %arg11[%get3A_441], %broadcast_in_dim3A_46 {add = true} : memref<10240xf32, #tpu.memory_space<vmem>>[vector<16xi32>], vector<16xf32>,
      %get3A_442 = arith.constant 1 : i32
      %get3A_443 = arith.constant 1 : i32
      %get3A_444 = arith.index_cast %get3A_442 : i32 to index
      %get3A_445 = arith.index_cast %get3A_443 : i32 to index
      %get3A_446 = arith.constant 16 : index
      %get3A_447 = tpu.vector_load %arg10[%get3A_444, %get3A_445, %get3A_446] {strides = array<i32>} : memref<2x8x80xi32, #tpu.memory_space<vmem>>, vector<16xi32>,
      tpu.vector_store_idx %arg11[%get3A_447], %broadcast_in_dim3A_46 {add = true} : memref<10240xf32, #tpu.memory_space<vmem>>[vector<16xi32>], vector<16xf32>,
      %get3A_448 = arith.constant 1 : i32
      %get3A_449 = arith.constant 1 : i32
      %get3A_450 = arith.index_cast %get3A_448 : i32 to index
      %get3A_451 = arith.index_cast %get3A_449 : i32 to index
      %get3A_452 = arith.constant 32 : index
      %get3A_453 = tpu.vector_load %arg10[%get3A_450, %get3A_451, %get3A_452] {strides = array<i32>} : memref<2x8x80xi32, #tpu.memory_space<vmem>>, vector<16xi32>,
      tpu.vector_store_idx %arg11[%get3A_453], %broadcast_in_dim3A_46 {add = true} : memref<10240xf32, #tpu.memory_space<vmem>>[vector<16xi32>], vector<16xf32>,
      %get3A_454 = arith.constant 1 : i32
      %get3A_455 = arith.constant 1 : i32
      %get3A_456 = arith.index_cast %get3A_454 : i32 to index
      %get3A_457 = arith.index_cast %get3A_455 : i32 to index
      %get3A_458 = arith.constant 48 : index
      %get3A_459 = tpu.vector_load %arg10[%get3A_456, %get3A_457, %get3A_458] {strides = array<i32>} : memref<2x8x80xi32, #tpu.memory_space<vmem>>, vector<16xi32>,
      tpu.vector_store_idx %arg11[%get3A_459], %broadcast_in_dim3A_46 {add = true} : memref<10240xf32, #tpu.memory_space<vmem>>[vector<16xi32>], vector<16xf32>,
      %get3A_460 = arith.constant 1 : i32
      %get3A_461 = arith.constant 1 : i32
      %get3A_462 = arith.index_cast %get3A_460 : i32 to index
      %get3A_463 = arith.index_cast %get3A_461 : i32 to index
      %get3A_464 = arith.constant 64 : index
      %get3A_465 = tpu.vector_load %arg10[%get3A_462, %get3A_463, %get3A_464] {strides = array<i32>} : memref<2x8x80xi32, #tpu.memory_space<vmem>>, vector<16xi32>,
      tpu.vector_store_idx %arg11[%get3A_465], %broadcast_in_dim3A_46 {add = true} : memref<10240xf32, #tpu.memory_space<vmem>>[vector<16xi32>], vector<16xf32>,
      %dma_wait3A_466 = arith.constant 1 : i32
      %dma_wait3A_467 = arith.constant 2 : i32
      %dma_wait3A_468 = arith.constant 0 : i32
      %dma_wait3A_469 = tpu.memref_slice %arg9[%dma_wait3A_466, %dma_wait3A_467, %dma_wait3A_468] : memref<2x8x80xi32, #tpu.memory_space<vmem>> -> memref<1x1x80xi32, #tpu.memory_space<vmem>>
      %dma_wait3A_470 = tpu.memref_squeeze %dma_wait3A_469 : memref<1x1x80xi32, #tpu.memory_space<vmem>> -> memref<80xi32, #tpu.memory_space<vmem>>
      %dma_wait3A_471 = arith.constant 0 : i32
      %dma_wait3A_472 = arith.constant 0 : i32
      %dma_wait3A_473 = tpu.memref_slice %arg2[%dma_wait3A_471, %dma_wait3A_472] : memref<10000x128xf32, #tpu.memory_space<hbm>> -> memref<10000x128xf32, #tpu.memory_space<hbm>>
      tpu.wait_indirect_dma semaphore(%arg18 : memref<!tpu.dma_semaphore, #tpu.memory_space<semaphore_mem>>) src(%dma_wait3A_473 : memref<10000x128xf32, #tpu.memory_space<hbm>>) dst(%arg15 : memref<80x128xf32, #tpu.memory_space<vmem>>)
      %dma_start3A_474 = arith.constant 1 : i32
      %dma_start3A_475 = arith.constant 2 : i32
      %dma_start3A_476 = arith.constant 0 : i32
      %dma_start3A_477 = tpu.memref_slice %arg10[%dma_start3A_474, %dma_start3A_475, %dma_start3A_476] : memref<2x8x80xi32, #tpu.memory_space<vmem>> -> memref<1x1x80xi32, #tpu.memory_space<vmem>>
      %dma_start3A_478 = tpu.memref_squeeze %dma_start3A_477 : memref<1x1x80xi32, #tpu.memory_space<vmem>> -> memref<80xi32, #tpu.memory_space<vmem>>
      %dma_start3A_479 = arith.constant 0 : i32
      %dma_start3A_480 = arith.constant 0 : i32
      %dma_start3A_481 = tpu.memref_slice %arg12[%dma_start3A_479, %dma_start3A_480] : memref<10016x128xf32, #tpu.memory_space<vmem_shared>> -> memref<10016x128xf32, #tpu.memory_space<vmem_shared>>
      tpu.enqueue_indirect_dma source(%arg15 : memref<80x128xf32, #tpu.memory_space<vmem>>) target(%dma_start3A_481 : memref<10016x128xf32, #tpu.memory_space<vmem_shared>>) offsets(%dma_start3A_478 : memref<80xi32, #tpu.memory_space<vmem>>) semaphore(%arg21 : memref<!tpu.dma_semaphore, #tpu.memory_space<semaphore_mem>>) {add = true}
      %get3A_482 = arith.constant 1 : i32
      %get3A_483 = arith.constant 2 : i32
      %get3A_484 = arith.index_cast %get3A_482 : i32 to index
      %get3A_485 = arith.index_cast %get3A_483 : i32 to index
      %get3A_486 = arith.constant 0 : index
      %get3A_487 = tpu.vector_load %arg10[%get3A_484, %get3A_485, %get3A_486] {strides = array<i32>} : memref<2x8x80xi32, #tpu.memory_space<vmem>>, vector<16xi32>,
      tpu.vector_store_idx %arg11[%get3A_487], %broadcast_in_dim3A_46 {add = true} : memref<10240xf32, #tpu.memory_space<vmem>>[vector<16xi32>], vector<16xf32>,
      %get3A_488 = arith.constant 1 : i32
      %get3A_489 = arith.constant 2 : i32
      %get3A_490 = arith.index_cast %get3A_488 : i32 to index
      %get3A_491 = arith.index_cast %get3A_489 : i32 to index
      %get3A_492 = arith.constant 16 : index
      %get3A_493 = tpu.vector_load %arg10[%get3A_490, %get3A_491, %get3A_492] {strides = array<i32>} : memref<2x8x80xi32, #tpu.memory_space<vmem>>, vector<16xi32>,
      tpu.vector_store_idx %arg11[%get3A_493], %broadcast_in_dim3A_46 {add = true} : memref<10240xf32, #tpu.memory_space<vmem>>[vector<16xi32>], vector<16xf32>,
      %get3A_494 = arith.constant 1 : i32
      %get3A_495 = arith.constant 2 : i32
      %get3A_496 = arith.index_cast %get3A_494 : i32 to index
      %get3A_497 = arith.index_cast %get3A_495 : i32 to index
      %get3A_498 = arith.constant 32 : index
      %get3A_499 = tpu.vector_load %arg10[%get3A_496, %get3A_497, %get3A_498] {strides = array<i32>} : memref<2x8x80xi32, #tpu.memory_space<vmem>>, vector<16xi32>,
      tpu.vector_store_idx %arg11[%get3A_499], %broadcast_in_dim3A_46 {add = true} : memref<10240xf32, #tpu.memory_space<vmem>>[vector<16xi32>], vector<16xf32>,
      %get3A_500 = arith.constant 1 : i32
      %get3A_501 = arith.constant 2 : i32
      %get3A_502 = arith.index_cast %get3A_500 : i32 to index
      %get3A_503 = arith.index_cast %get3A_501 : i32 to index
      %get3A_504 = arith.constant 48 : index
      %get3A_505 = tpu.vector_load %arg10[%get3A_502, %get3A_503, %get3A_504] {strides = array<i32>} : memref<2x8x80xi32, #tpu.memory_space<vmem>>, vector<16xi32>,
      tpu.vector_store_idx %arg11[%get3A_505], %broadcast_in_dim3A_46 {add = true} : memref<10240xf32, #tpu.memory_space<vmem>>[vector<16xi32>], vector<16xf32>,
      %get3A_506 = arith.constant 1 : i32
      %get3A_507 = arith.constant 2 : i32
      %get3A_508 = arith.index_cast %get3A_506 : i32 to index
      %get3A_509 = arith.index_cast %get3A_507 : i32 to index
      %get3A_510 = arith.constant 64 : index
      %get3A_511 = tpu.vector_load %arg10[%get3A_508, %get3A_509, %get3A_510] {strides = array<i32>} : memref<2x8x80xi32, #tpu.memory_space<vmem>>, vector<16xi32>,
      tpu.vector_store_idx %arg11[%get3A_511], %broadcast_in_dim3A_46 {add = true} : memref<10240xf32, #tpu.memory_space<vmem>>[vector<16xi32>], vector<16xf32>,
      %lt3A_512 = arith.constant 41 : i32
      %lt3A_513 = arith.cmpi slt, %add3A_373, %lt3A_512 : i32
      %convert_element_type3A_514 = arith.extui %lt3A_513 : i1 to i32
      %cond3A_515 = arith.constant 0 : i32
      %cond3A_516 = arith.cmpi ne, %convert_element_type3A_514, %cond3A_515 : i32
      scf.if %cond3A_516 {
        %dma_wait3A_561 = arith.constant 0 : i32
        %dma_wait3A_562 = arith.constant 0 : i32
        %dma_wait3A_563 = arith.constant 0 : i32
        %dma_wait3A_564 = tpu.memref_slice %arg9[%dma_wait3A_561, %dma_wait3A_562, %dma_wait3A_563] : memref<2x8x80xi32, #tpu.memory_space<vmem>> -> memref<1x8x80xi32, #tpu.memory_space<vmem>>
        %dma_wait3A_565 = tpu.memref_squeeze %dma_wait3A_564 : memref<1x8x80xi32, #tpu.memory_space<vmem>> -> memref<8x80xi32, #tpu.memory_space<vmem>>
        %dma_wait3A_566 = arith.constant 0 : i32
        %dma_wait3A_567 = arith.constant 0 : i32
        %dma_wait3A_568 = tpu.memref_slice %arg3[%mul3A_2, %dma_wait3A_566, %dma_wait3A_567] : memref<1344x8x80xi32, #tpu.memory_space<hbm>> -> memref<1x8x80xi32, #tpu.memory_space<hbm>>
        %dma_wait3A_569 = tpu.memref_squeeze %dma_wait3A_568 : memref<1x8x80xi32, #tpu.memory_space<hbm>> -> memref<8x80xi32, #tpu.memory_space<hbm>>
        %dma_wait3A_570 = arith.constant 0 : i32
        %dma_wait3A_571 = arith.constant 0 : i32
        %dma_wait3A_572 = tpu.memref_slice %arg9[%dma_wait3A_561, %dma_wait3A_570, %dma_wait3A_571] : memref<2x8x80xi32, #tpu.memory_space<vmem>> -> memref<1x8x80xi32, #tpu.memory_space<vmem>>
        %dma_wait3A_573 = tpu.memref_squeeze %dma_wait3A_572 : memref<1x8x80xi32, #tpu.memory_space<vmem>> -> memref<8x80xi32, #tpu.memory_space<vmem>>
        %dma_wait3A_574 = arith.constant 0 : i32
        %dma_wait3A_575 = arith.constant 0 : i32
        %dma_wait3A_576 = tpu.memref_slice %arg3[%mul3A_2, %dma_wait3A_574, %dma_wait3A_575] : memref<1344x8x80xi32, #tpu.memory_space<hbm>> -> memref<1x8x80xi32, #tpu.memory_space<hbm>>
        %dma_wait3A_577 = tpu.memref_squeeze %dma_wait3A_576 : memref<1x8x80xi32, #tpu.memory_space<hbm>> -> memref<8x80xi32, #tpu.memory_space<hbm>>
        tpu.wait_dma2 semaphore(%arg22 : memref<!tpu.dma_semaphore, #tpu.memory_space<semaphore_mem>>) src(%dma_wait3A_577 : memref<8x80xi32, #tpu.memory_space<hbm>>) dst(%dma_wait3A_573 : memref<8x80xi32, #tpu.memory_space<vmem>>)
        %dma_wait3A_578 = arith.constant 0 : i32
        %dma_wait3A_579 = arith.constant 0 : i32
        %dma_wait3A_580 = arith.constant 0 : i32
        %dma_wait3A_581 = tpu.memref_slice %arg10[%dma_wait3A_578, %dma_wait3A_579, %dma_wait3A_580] : memref<2x8x80xi32, #tpu.memory_space<vmem>> -> memref<1x8x80xi32, #tpu.memory_space<vmem>>
        %dma_wait3A_582 = tpu.memref_squeeze %dma_wait3A_581 : memref<1x8x80xi32, #tpu.memory_space<vmem>> -> memref<8x80xi32, #tpu.memory_space<vmem>>
        %dma_wait3A_583 = arith.constant 0 : i32
        %dma_wait3A_584 = arith.constant 0 : i32
        %dma_wait3A_585 = tpu.memref_slice %arg4[%mul3A_2, %dma_wait3A_583, %dma_wait3A_584] : memref<1344x8x80xi32, #tpu.memory_space<hbm>> -> memref<1x8x80xi32, #tpu.memory_space<hbm>>
        %dma_wait3A_586 = tpu.memref_squeeze %dma_wait3A_585 : memref<1x8x80xi32, #tpu.memory_space<hbm>> -> memref<8x80xi32, #tpu.memory_space<hbm>>
        %dma_wait3A_587 = arith.constant 0 : i32
        %dma_wait3A_588 = arith.constant 0 : i32
        %dma_wait3A_589 = tpu.memref_slice %arg10[%dma_wait3A_578, %dma_wait3A_587, %dma_wait3A_588] : memref<2x8x80xi32, #tpu.memory_space<vmem>> -> memref<1x8x80xi32, #tpu.memory_space<vmem>>
        %dma_wait3A_590 = tpu.memref_squeeze %dma_wait3A_589 : memref<1x8x80xi32, #tpu.memory_space<vmem>> -> memref<8x80xi32, #tpu.memory_space<vmem>>
        %dma_wait3A_591 = arith.constant 0 : i32
        %dma_wait3A_592 = arith.constant 0 : i32
        %dma_wait3A_593 = tpu.memref_slice %arg4[%mul3A_2, %dma_wait3A_591, %dma_wait3A_592] : memref<1344x8x80xi32, #tpu.memory_space<hbm>> -> memref<1x8x80xi32, #tpu.memory_space<hbm>>
        %dma_wait3A_594 = tpu.memref_squeeze %dma_wait3A_593 : memref<1x8x80xi32, #tpu.memory_space<hbm>> -> memref<8x80xi32, #tpu.memory_space<hbm>>
        tpu.wait_dma2 semaphore(%arg22 : memref<!tpu.dma_semaphore, #tpu.memory_space<semaphore_mem>>) src(%dma_wait3A_594 : memref<8x80xi32, #tpu.memory_space<hbm>>) dst(%dma_wait3A_590 : memref<8x80xi32, #tpu.memory_space<vmem>>)
      } else {
      }
      %dma_wait3A_517 = arith.constant 1 : i32
      %dma_wait3A_518 = arith.constant 0 : i32
      %dma_wait3A_519 = arith.constant 0 : i32
      %dma_wait3A_520 = tpu.memref_slice %arg10[%dma_wait3A_517, %dma_wait3A_518, %dma_wait3A_519] : memref<2x8x80xi32, #tpu.memory_space<vmem>> -> memref<1x1x80xi32, #tpu.memory_space<vmem>>
      %dma_wait3A_521 = tpu.memref_squeeze %dma_wait3A_520 : memref<1x1x80xi32, #tpu.memory_space<vmem>> -> memref<80xi32, #tpu.memory_space<vmem>>
      %dma_wait3A_522 = arith.constant 0 : i32
      %dma_wait3A_523 = arith.constant 0 : i32
      %dma_wait3A_524 = tpu.memref_slice %arg12[%dma_wait3A_522, %dma_wait3A_523] : memref<10016x128xf32, #tpu.memory_space<vmem_shared>> -> memref<10016x128xf32, #tpu.memory_space<vmem_shared>>
      tpu.wait_indirect_dma semaphore(%arg19 : memref<!tpu.dma_semaphore, #tpu.memory_space<semaphore_mem>>) src(%arg13 : memref<80x128xf32, #tpu.memory_space<vmem>>) dst(%dma_wait3A_524 : memref<10016x128xf32, #tpu.memory_space<vmem_shared>>)
      %lt3A_525 = arith.constant 41 : i32
      %lt3A_526 = arith.cmpi slt, %add3A_373, %lt3A_525 : i32
      %convert_element_type3A_527 = arith.extui %lt3A_526 : i1 to i32
      %cond3A_528 = arith.constant 0 : i32
      %cond3A_529 = arith.cmpi ne, %convert_element_type3A_527, %cond3A_528 : i32
      scf.if %cond3A_529 {
        %dma_start3A_561 = arith.constant 0 : i32
        %dma_start3A_562 = arith.constant 0 : i32
        %dma_start3A_563 = arith.constant 0 : i32
        %dma_start3A_564 = tpu.memref_slice %arg9[%dma_start3A_561, %dma_start3A_562, %dma_start3A_563] : memref<2x8x80xi32, #tpu.memory_space<vmem>> -> memref<1x1x80xi32, #tpu.memory_space<vmem>>
        %dma_start3A_565 = tpu.memref_squeeze %dma_start3A_564 : memref<1x1x80xi32, #tpu.memory_space<vmem>> -> memref<80xi32, #tpu.memory_space<vmem>>
        %dma_start3A_566 = arith.constant 0 : i32
        %dma_start3A_567 = arith.constant 0 : i32
        %dma_start3A_568 = tpu.memref_slice %arg2[%dma_start3A_566, %dma_start3A_567] : memref<10000x128xf32, #tpu.memory_space<hbm>> -> memref<10000x128xf32, #tpu.memory_space<hbm>>
        tpu.enqueue_indirect_dma source(%dma_start3A_568 : memref<10000x128xf32, #tpu.memory_space<hbm>>) target(%arg13 : memref<80x128xf32, #tpu.memory_space<vmem>>) offsets(%dma_start3A_565 : memref<80xi32, #tpu.memory_space<vmem>>) semaphore(%arg16 : memref<!tpu.dma_semaphore, #tpu.memory_space<semaphore_mem>>)
      } else {
      }
      %dma_wait3A_530 = arith.constant 1 : i32
      %dma_wait3A_531 = arith.constant 1 : i32
      %dma_wait3A_532 = arith.constant 0 : i32
      %dma_wait3A_533 = tpu.memref_slice %arg10[%dma_wait3A_530, %dma_wait3A_531, %dma_wait3A_532] : memref<2x8x80xi32, #tpu.memory_space<vmem>> -> memref<1x1x80xi32, #tpu.memory_space<vmem>>
      %dma_wait3A_534 = tpu.memref_squeeze %dma_wait3A_533 : memref<1x1x80xi32, #tpu.memory_space<vmem>> -> memref<80xi32, #tpu.memory_space<vmem>>
      %dma_wait3A_535 = arith.constant 0 : i32
      %dma_wait3A_536 = arith.constant 0 : i32
      %dma_wait3A_537 = tpu.memref_slice %arg12[%dma_wait3A_535, %dma_wait3A_536] : memref<10016x128xf32, #tpu.memory_space<vmem_shared>> -> memref<10016x128xf32, #tpu.memory_space<vmem_shared>>
      tpu.wait_indirect_dma semaphore(%arg20 : memref<!tpu.dma_semaphore, #tpu.memory_space<semaphore_mem>>) src(%arg14 : memref<80x128xf32, #tpu.memory_space<vmem>>) dst(%dma_wait3A_537 : memref<10016x128xf32, #tpu.memory_space<vmem_shared>>)
      %lt3A_538 = arith.constant 41 : i32
      %lt3A_539 = arith.cmpi slt, %add3A_373, %lt3A_538 : i32
      %convert_element_type3A_540 = arith.extui %lt3A_539 : i1 to i32
      %cond3A_541 = arith.constant 0 : i32
      %cond3A_542 = arith.cmpi ne, %convert_element_type3A_540, %cond3A_541 : i32
      scf.if %cond3A_542 {
        %dma_start3A_561 = arith.constant 0 : i32
        %dma_start3A_562 = arith.constant 1 : i32
        %dma_start3A_563 = arith.constant 0 : i32
        %dma_start3A_564 = tpu.memref_slice %arg9[%dma_start3A_561, %dma_start3A_562, %dma_start3A_563] : memref<2x8x80xi32, #tpu.memory_space<vmem>> -> memref<1x1x80xi32, #tpu.memory_space<vmem>>
        %dma_start3A_565 = tpu.memref_squeeze %dma_start3A_564 : memref<1x1x80xi32, #tpu.memory_space<vmem>> -> memref<80xi32, #tpu.memory_space<vmem>>
        %dma_start3A_566 = arith.constant 0 : i32
        %dma_start3A_567 = arith.constant 0 : i32
        %dma_start3A_568 = tpu.memref_slice %arg2[%dma_start3A_566, %dma_start3A_567] : memref<10000x128xf32, #tpu.memory_space<hbm>> -> memref<10000x128xf32, #tpu.memory_space<hbm>>
        tpu.enqueue_indirect_dma source(%dma_start3A_568 : memref<10000x128xf32, #tpu.memory_space<hbm>>) target(%arg14 : memref<80x128xf32, #tpu.memory_space<vmem>>) offsets(%dma_start3A_565 : memref<80xi32, #tpu.memory_space<vmem>>) semaphore(%arg17 : memref<!tpu.dma_semaphore, #tpu.memory_space<semaphore_mem>>)
      } else {
      }
      %dma_wait3A_543 = arith.constant 1 : i32
      %dma_wait3A_544 = arith.constant 2 : i32
      %dma_wait3A_545 = arith.constant 0 : i32
      %dma_wait3A_546 = tpu.memref_slice %arg10[%dma_wait3A_543, %dma_wait3A_544, %dma_wait3A_545] : memref<2x8x80xi32, #tpu.memory_space<vmem>> -> memref<1x1x80xi32, #tpu.memory_space<vmem>>
      %dma_wait3A_547 = tpu.memref_squeeze %dma_wait3A_546 : memref<1x1x80xi32, #tpu.memory_space<vmem>> -> memref<80xi32, #tpu.memory_space<vmem>>
      %dma_wait3A_548 = arith.constant 0 : i32
      %dma_wait3A_549 = arith.constant 0 : i32
      %dma_wait3A_550 = tpu.memref_slice %arg12[%dma_wait3A_548, %dma_wait3A_549] : memref<10016x128xf32, #tpu.memory_space<vmem_shared>> -> memref<10016x128xf32, #tpu.memory_space<vmem_shared>>
      tpu.wait_indirect_dma semaphore(%arg21 : memref<!tpu.dma_semaphore, #tpu.memory_space<semaphore_mem>>) src(%arg15 : memref<80x128xf32, #tpu.memory_space<vmem>>) dst(%dma_wait3A_550 : memref<10016x128xf32, #tpu.memory_space<vmem_shared>>)
      %lt3A_551 = arith.constant 41 : i32
      %lt3A_552 = arith.cmpi slt, %add3A_373, %lt3A_551 : i32
      %convert_element_type3A_553 = arith.extui %lt3A_552 : i1 to i32
      %cond3A_554 = arith.constant 0 : i32
      %cond3A_555 = arith.cmpi ne, %convert_element_type3A_553, %cond3A_554 : i32
      scf.if %cond3A_555 {
        %dma_start3A_561 = arith.constant 0 : i32
        %dma_start3A_562 = arith.constant 2 : i32
        %dma_start3A_563 = arith.constant 0 : i32
        %dma_start3A_564 = tpu.memref_slice %arg9[%dma_start3A_561, %dma_start3A_562, %dma_start3A_563] : memref<2x8x80xi32, #tpu.memory_space<vmem>> -> memref<1x1x80xi32, #tpu.memory_space<vmem>>
        %dma_start3A_565 = tpu.memref_squeeze %dma_start3A_564 : memref<1x1x80xi32, #tpu.memory_space<vmem>> -> memref<80xi32, #tpu.memory_space<vmem>>
        %dma_start3A_566 = arith.constant 0 : i32
        %dma_start3A_567 = arith.constant 0 : i32
        %dma_start3A_568 = tpu.memref_slice %arg2[%dma_start3A_566, %dma_start3A_567] : memref<10000x128xf32, #tpu.memory_space<hbm>> -> memref<10000x128xf32, #tpu.memory_space<hbm>>
        tpu.enqueue_indirect_dma source(%dma_start3A_568 : memref<10000x128xf32, #tpu.memory_space<hbm>>) target(%arg15 : memref<80x128xf32, #tpu.memory_space<vmem>>) offsets(%dma_start3A_565 : memref<80xi32, #tpu.memory_space<vmem>>) semaphore(%arg18 : memref<!tpu.dma_semaphore, #tpu.memory_space<semaphore_mem>>)
      } else {
      }
      %lt3A_556 = arith.constant 40 : i32
      %lt3A_557 = arith.cmpi slt, %add3A_373, %lt3A_556 : i32
      %convert_element_type3A_558 = arith.extui %lt3A_557 : i1 to i32
      %cond3A_559 = arith.constant 0 : i32
      %cond3A_560 = arith.cmpi ne, %convert_element_type3A_558, %cond3A_559 : i32
      scf.if %cond3A_560 {
        %add3A_561 = arith.addi %mul3A_2, %add3A_373 : i32
        %add3A_562 = arith.constant 2 : i32
        %add3A_563 = arith.addi %add3A_561, %add3A_562 : i32
        %dma_start3A_564 = arith.constant 1 : i32
        %dma_start3A_565 = arith.constant 0 : i32
        %dma_start3A_566 = arith.constant 0 : i32
        %dma_start3A_567 = tpu.memref_slice %arg9[%dma_start3A_564, %dma_start3A_565, %dma_start3A_566] : memref<2x8x80xi32, #tpu.memory_space<vmem>> -> memref<1x8x80xi32, #tpu.memory_space<vmem>>
        %dma_start3A_568 = tpu.memref_squeeze %dma_start3A_567 : memref<1x8x80xi32, #tpu.memory_space<vmem>> -> memref<8x80xi32, #tpu.memory_space<vmem>>
        %dma_start3A_569 = arith.constant 0 : i32
        %dma_start3A_570 = arith.constant 0 : i32
        %dma_start3A_571 = tpu.memref_slice %arg3[%add3A_563, %dma_start3A_569, %dma_start3A_570] : memref<1344x8x80xi32, #tpu.memory_space<hbm>> -> memref<1x8x80xi32, #tpu.memory_space<hbm>>
        %dma_start3A_572 = tpu.memref_squeeze %dma_start3A_571 : memref<1x8x80xi32, #tpu.memory_space<hbm>> -> memref<8x80xi32, #tpu.memory_space<hbm>>
        %dma_start3A_573 = arith.constant 0 : i32
        %dma_start3A_574 = arith.constant 0 : i32
        %dma_start3A_575 = tpu.memref_slice %arg9[%dma_start3A_564, %dma_start3A_573, %dma_start3A_574] : memref<2x8x80xi32, #tpu.memory_space<vmem>> -> memref<1x8x80xi32, #tpu.memory_space<vmem>>
        %dma_start3A_576 = tpu.memref_squeeze %dma_start3A_575 : memref<1x8x80xi32, #tpu.memory_space<vmem>> -> memref<8x80xi32, #tpu.memory_space<vmem>>
        %dma_start3A_577 = arith.constant 0 : i32
        %dma_start3A_578 = arith.constant 0 : i32
        %dma_start3A_579 = tpu.memref_slice %arg3[%add3A_563, %dma_start3A_577, %dma_start3A_578] : memref<1344x8x80xi32, #tpu.memory_space<hbm>> -> memref<1x8x80xi32, #tpu.memory_space<hbm>>
        %dma_start3A_580 = tpu.memref_squeeze %dma_start3A_579 : memref<1x8x80xi32, #tpu.memory_space<hbm>> -> memref<8x80xi32, #tpu.memory_space<hbm>>
        tpu.enqueue_dma source(%dma_start3A_580 : memref<8x80xi32, #tpu.memory_space<hbm>>) target(%dma_start3A_576 : memref<8x80xi32, #tpu.memory_space<vmem>>) target_semaphore(%arg23 : memref<!tpu.dma_semaphore, #tpu.memory_space<semaphore_mem>>)
        %add3A_581 = arith.addi %mul3A_2, %add3A_373 : i32
        %add3A_582 = arith.constant 2 : i32
        %add3A_583 = arith.addi %add3A_581, %add3A_582 : i32
        %dma_start3A_584 = arith.constant 1 : i32
        %dma_start3A_585 = arith.constant 0 : i32
        %dma_start3A_586 = arith.constant 0 : i32
        %dma_start3A_587 = tpu.memref_slice %arg10[%dma_start3A_584, %dma_start3A_585, %dma_start3A_586] : memref<2x8x80xi32, #tpu.memory_space<vmem>> -> memref<1x8x80xi32, #tpu.memory_space<vmem>>
        %dma_start3A_588 = tpu.memref_squeeze %dma_start3A_587 : memref<1x8x80xi32, #tpu.memory_space<vmem>> -> memref<8x80xi32, #tpu.memory_space<vmem>>
        %dma_start3A_589 = arith.constant 0 : i32
        %dma_start3A_590 = arith.constant 0 : i32
        %dma_start3A_591 = tpu.memref_slice %arg4[%add3A_583, %dma_start3A_589, %dma_start3A_590] : memref<1344x8x80xi32, #tpu.memory_space<hbm>> -> memref<1x8x80xi32, #tpu.memory_space<hbm>>
        %dma_start3A_592 = tpu.memref_squeeze %dma_start3A_591 : memref<1x8x80xi32, #tpu.memory_space<hbm>> -> memref<8x80xi32, #tpu.memory_space<hbm>>
        %dma_start3A_593 = arith.constant 0 : i32
        %dma_start3A_594 = arith.constant 0 : i32
        %dma_start3A_595 = tpu.memref_slice %arg10[%dma_start3A_584, %dma_start3A_593, %dma_start3A_594] : memref<2x8x80xi32, #tpu.memory_space<vmem>> -> memref<1x8x80xi32, #tpu.memory_space<vmem>>
        %dma_start3A_596 = tpu.memref_squeeze %dma_start3A_595 : memref<1x8x80xi32, #tpu.memory_space<vmem>> -> memref<8x80xi32, #tpu.memory_space<vmem>>
        %dma_start3A_597 = arith.constant 0 : i32
        %dma_start3A_598 = arith.constant 0 : i32
        %dma_start3A_599 = tpu.memref_slice %arg4[%add3A_583, %dma_start3A_597, %dma_start3A_598] : memref<1344x8x80xi32, #tpu.memory_space<hbm>> -> memref<1x8x80xi32, #tpu.memory_space<hbm>>
        %dma_start3A_600 = tpu.memref_squeeze %dma_start3A_599 : memref<1x8x80xi32, #tpu.memory_space<hbm>> -> memref<8x80xi32, #tpu.memory_space<hbm>>
        tpu.enqueue_dma source(%dma_start3A_600 : memref<8x80xi32, #tpu.memory_space<hbm>>) target(%dma_start3A_596 : memref<8x80xi32, #tpu.memory_space<vmem>>) target_semaphore(%arg23 : memref<!tpu.dma_semaphore, #tpu.memory_space<semaphore_mem>>)
      } else {
      }
    }
    %scan3A_76 = arith.constant 21 : i32
    %barrier3A_77 = arith.constant 0 : index
    tpu.barrier barrier_id(%barrier3A_77)
    %add3A_78 = arith.constant 0 : i32
    %add3A_79 = arith.addi %arg1, %add3A_78 : i32
    %lt3A = arith.constant 125 : i32
    %lt3A_80 = arith.cmpi slt, %add3A_79, %lt3A : i32
    %convert_element_type3A = arith.extui %lt3A_80 : i1 to i32
    %cond3A = arith.constant 0 : i32
    %cond3A_81 = arith.cmpi ne, %convert_element_type3A, %cond3A : i32
    scf.if %cond3A_81 {
      %mul3A_181 = arith.constant 80 : i32
      %mul3A_182 = arith.muli %add3A_79, %mul3A_181 : i32
      "tpu.region"() ({
        %run_scoped3A_190 = tpu.sem_alloc : memref<!tpu.dma_semaphore, #tpu.memory_space<semaphore_mem>>
        %dma_start3A_191 = arith.constant 0 : i32
        %dma_start3A_192 = tpu.memref_slice %arg12[%mul3A_182, %dma_start3A_191] : memref<10016x128xf32, #tpu.memory_space<vmem_shared>> -> memref<80x128xf32, #tpu.memory_space<vmem_shared>>
        %dma_start3A_193 = arith.constant 0 : i32
        %dma_start3A_194 = tpu.memref_slice %arg12[%mul3A_182, %dma_start3A_193] : memref<10016x128xf32, #tpu.memory_space<vmem_shared>> -> memref<80x128xf32, #tpu.memory_space<vmem_shared>>
        tpu.enqueue_dma source(%dma_start3A_194 : memref<80x128xf32, #tpu.memory_space<vmem_shared>>) target(%arg13 : memref<80x128xf32, #tpu.memory_space<vmem>>) target_semaphore(%run_scoped3A_190 : memref<!tpu.dma_semaphore, #tpu.memory_space<semaphore_mem>>)
        %dma_wait3A_195 = arith.constant 0 : i32
        %dma_wait3A_196 = tpu.memref_slice %arg12[%mul3A_182, %dma_wait3A_195] : memref<10016x128xf32, #tpu.memory_space<vmem_shared>> -> memref<80x128xf32, #tpu.memory_space<vmem_shared>>
        %dma_wait3A_197 = arith.constant 0 : i32
        %dma_wait3A_198 = tpu.memref_slice %arg12[%mul3A_182, %dma_wait3A_197] : memref<10016x128xf32, #tpu.memory_space<vmem_shared>> -> memref<80x128xf32, #tpu.memory_space<vmem_shared>>
        tpu.wait_dma2 semaphore(%run_scoped3A_190 : memref<!tpu.dma_semaphore, #tpu.memory_space<semaphore_mem>>) src(%dma_wait3A_198 : memref<80x128xf32, #tpu.memory_space<vmem_shared>>) dst(%arg13 : memref<80x128xf32, #tpu.memory_space<vmem>>)
        tpu.yield
      }) : () -> ()
      %mul3A_183 = arith.constant 10000 : i32
      %mul3A_184 = arith.muli %arg0, %mul3A_183 : i32
      %add3A_185 = arith.addi %mul3A_184, %mul3A_182 : i32
      %dma_start3A_186 = arith.constant 0 : i32
      %dma_start3A_187 = tpu.memref_slice %arg7[%add3A_185, %dma_start3A_186] : memref<20000x128xf32, #tpu.memory_space<hbm>> -> memref<80x128xf32, #tpu.memory_space<hbm>>
      %dma_start3A_188 = arith.constant 0 : i32
      %dma_start3A_189 = tpu.memref_slice %arg7[%add3A_185, %dma_start3A_188] : memref<20000x128xf32, #tpu.memory_space<hbm>> -> memref<80x128xf32, #tpu.memory_space<hbm>>
      tpu.enqueue_dma source(%arg13 : memref<80x128xf32, #tpu.memory_space<vmem>>) target(%dma_start3A_189 : memref<80x128xf32, #tpu.memory_space<hbm>>) target_semaphore(%arg16 : memref<!tpu.dma_semaphore, #tpu.memory_space<semaphore_mem>>)
    } else {
    }
    %add3A_82 = arith.constant 16 : i32
    %add3A_83 = arith.addi %arg1, %add3A_82 : i32
    %lt3A_84 = arith.constant 125 : i32
    %lt3A_85 = arith.cmpi slt, %add3A_83, %lt3A_84 : i32
    %convert_element_type3A_86 = arith.extui %lt3A_85 : i1 to i32
    %cond3A_87 = arith.constant 0 : i32
    %cond3A_88 = arith.cmpi ne, %convert_element_type3A_86, %cond3A_87 : i32
    scf.if %cond3A_88 {
      %mul3A_181 = arith.constant 80 : i32
      %mul3A_182 = arith.muli %add3A_83, %mul3A_181 : i32
      "tpu.region"() ({
        %run_scoped3A_190 = tpu.sem_alloc : memref<!tpu.dma_semaphore, #tpu.memory_space<semaphore_mem>>
        %dma_start3A_191 = arith.constant 0 : i32
        %dma_start3A_192 = tpu.memref_slice %arg12[%mul3A_182, %dma_start3A_191] : memref<10016x128xf32, #tpu.memory_space<vmem_shared>> -> memref<80x128xf32, #tpu.memory_space<vmem_shared>>
        %dma_start3A_193 = arith.constant 0 : i32
        %dma_start3A_194 = tpu.memref_slice %arg12[%mul3A_182, %dma_start3A_193] : memref<10016x128xf32, #tpu.memory_space<vmem_shared>> -> memref<80x128xf32, #tpu.memory_space<vmem_shared>>
        tpu.enqueue_dma source(%dma_start3A_194 : memref<80x128xf32, #tpu.memory_space<vmem_shared>>) target(%arg14 : memref<80x128xf32, #tpu.memory_space<vmem>>) target_semaphore(%run_scoped3A_190 : memref<!tpu.dma_semaphore, #tpu.memory_space<semaphore_mem>>)
        %dma_wait3A_195 = arith.constant 0 : i32
        %dma_wait3A_196 = tpu.memref_slice %arg12[%mul3A_182, %dma_wait3A_195] : memref<10016x128xf32, #tpu.memory_space<vmem_shared>> -> memref<80x128xf32, #tpu.memory_space<vmem_shared>>
        %dma_wait3A_197 = arith.constant 0 : i32
        %dma_wait3A_198 = tpu.memref_slice %arg12[%mul3A_182, %dma_wait3A_197] : memref<10016x128xf32, #tpu.memory_space<vmem_shared>> -> memref<80x128xf32, #tpu.memory_space<vmem_shared>>
        tpu.wait_dma2 semaphore(%run_scoped3A_190 : memref<!tpu.dma_semaphore, #tpu.memory_space<semaphore_mem>>) src(%dma_wait3A_198 : memref<80x128xf32, #tpu.memory_space<vmem_shared>>) dst(%arg14 : memref<80x128xf32, #tpu.memory_space<vmem>>)
        tpu.yield
      }) : () -> ()
      %mul3A_183 = arith.constant 10000 : i32
      %mul3A_184 = arith.muli %arg0, %mul3A_183 : i32
      %add3A_185 = arith.addi %mul3A_184, %mul3A_182 : i32
      %dma_start3A_186 = arith.constant 0 : i32
      %dma_start3A_187 = tpu.memref_slice %arg7[%add3A_185, %dma_start3A_186] : memref<20000x128xf32, #tpu.memory_space<hbm>> -> memref<80x128xf32, #tpu.memory_space<hbm>>
      %dma_start3A_188 = arith.constant 0 : i32
      %dma_start3A_189 = tpu.memref_slice %arg7[%add3A_185, %dma_start3A_188] : memref<20000x128xf32, #tpu.memory_space<hbm>> -> memref<80x128xf32, #tpu.memory_space<hbm>>
      tpu.enqueue_dma source(%arg14 : memref<80x128xf32, #tpu.memory_space<vmem>>) target(%dma_start3A_189 : memref<80x128xf32, #tpu.memory_space<hbm>>) target_semaphore(%arg17 : memref<!tpu.dma_semaphore, #tpu.memory_space<semaphore_mem>>)
    } else {
    }
    %add3A_89 = arith.constant 32 : i32
    %add3A_90 = arith.addi %arg1, %add3A_89 : i32
    %lt3A_91 = arith.constant 125 : i32
    %lt3A_92 = arith.cmpi slt, %add3A_90, %lt3A_91 : i32
    %convert_element_type3A_93 = arith.extui %lt3A_92 : i1 to i32
    %cond3A_94 = arith.constant 0 : i32
    %cond3A_95 = arith.cmpi ne, %convert_element_type3A_93, %cond3A_94 : i32
    scf.if %cond3A_95 {
      %mul3A_181 = arith.constant 80 : i32
      %mul3A_182 = arith.muli %add3A_90, %mul3A_181 : i32
      "tpu.region"() ({
        %run_scoped3A_190 = tpu.sem_alloc : memref<!tpu.dma_semaphore, #tpu.memory_space<semaphore_mem>>
        %dma_start3A_191 = arith.constant 0 : i32
        %dma_start3A_192 = tpu.memref_slice %arg12[%mul3A_182, %dma_start3A_191] : memref<10016x128xf32, #tpu.memory_space<vmem_shared>> -> memref<80x128xf32, #tpu.memory_space<vmem_shared>>
        %dma_start3A_193 = arith.constant 0 : i32
        %dma_start3A_194 = tpu.memref_slice %arg12[%mul3A_182, %dma_start3A_193] : memref<10016x128xf32, #tpu.memory_space<vmem_shared>> -> memref<80x128xf32, #tpu.memory_space<vmem_shared>>
        tpu.enqueue_dma source(%dma_start3A_194 : memref<80x128xf32, #tpu.memory_space<vmem_shared>>) target(%arg15 : memref<80x128xf32, #tpu.memory_space<vmem>>) target_semaphore(%run_scoped3A_190 : memref<!tpu.dma_semaphore, #tpu.memory_space<semaphore_mem>>)
        %dma_wait3A_195 = arith.constant 0 : i32
        %dma_wait3A_196 = tpu.memref_slice %arg12[%mul3A_182, %dma_wait3A_195] : memref<10016x128xf32, #tpu.memory_space<vmem_shared>> -> memref<80x128xf32, #tpu.memory_space<vmem_shared>>
        %dma_wait3A_197 = arith.constant 0 : i32
        %dma_wait3A_198 = tpu.memref_slice %arg12[%mul3A_182, %dma_wait3A_197] : memref<10016x128xf32, #tpu.memory_space<vmem_shared>> -> memref<80x128xf32, #tpu.memory_space<vmem_shared>>
        tpu.wait_dma2 semaphore(%run_scoped3A_190 : memref<!tpu.dma_semaphore, #tpu.memory_space<semaphore_mem>>) src(%dma_wait3A_198 : memref<80x128xf32, #tpu.memory_space<vmem_shared>>) dst(%arg15 : memref<80x128xf32, #tpu.memory_space<vmem>>)
        tpu.yield
      }) : () -> ()
      %mul3A_183 = arith.constant 10000 : i32
      %mul3A_184 = arith.muli %arg0, %mul3A_183 : i32
      %add3A_185 = arith.addi %mul3A_184, %mul3A_182 : i32
      %dma_start3A_186 = arith.constant 0 : i32
      %dma_start3A_187 = tpu.memref_slice %arg7[%add3A_185, %dma_start3A_186] : memref<20000x128xf32, #tpu.memory_space<hbm>> -> memref<80x128xf32, #tpu.memory_space<hbm>>
      %dma_start3A_188 = arith.constant 0 : i32
      %dma_start3A_189 = tpu.memref_slice %arg7[%add3A_185, %dma_start3A_188] : memref<20000x128xf32, #tpu.memory_space<hbm>> -> memref<80x128xf32, #tpu.memory_space<hbm>>
      tpu.enqueue_dma source(%arg15 : memref<80x128xf32, #tpu.memory_space<vmem>>) target(%dma_start3A_189 : memref<80x128xf32, #tpu.memory_space<hbm>>) target_semaphore(%arg18 : memref<!tpu.dma_semaphore, #tpu.memory_space<semaphore_mem>>)
    } else {
    }
    %add3A_96 = arith.constant 48 : i32
    %add3A_97 = arith.addi %arg1, %add3A_96 : i32
    %dma_wait3A = arith.constant 0 : i32
    %dma_wait3A_98 = arith.constant 0 : i32
    %dma_wait3A_99 = tpu.memref_slice %arg7[%dma_wait3A, %dma_wait3A_98] : memref<20000x128xf32, #tpu.memory_space<hbm>> -> memref<80x128xf32, #tpu.memory_space<hbm>>
    %dma_wait3A_100 = arith.constant 0 : i32
    %dma_wait3A_101 = arith.constant 0 : i32
    %dma_wait3A_102 = tpu.memref_slice %arg7[%dma_wait3A_100, %dma_wait3A_101] : memref<20000x128xf32, #tpu.memory_space<hbm>> -> memref<80x128xf32, #tpu.memory_space<hbm>>
    tpu.wait_dma2 semaphore(%arg16 : memref<!tpu.dma_semaphore, #tpu.memory_space<semaphore_mem>>) src(%arg13 : memref<80x128xf32, #tpu.memory_space<vmem>>) dst(%dma_wait3A_102 : memref<80x128xf32, #tpu.memory_space<hbm>>)
    %lt3A_103 = arith.constant 125 : i32
    %lt3A_104 = arith.cmpi slt, %add3A_97, %lt3A_103 : i32
    %convert_element_type3A_105 = arith.extui %lt3A_104 : i1 to i32
    %cond3A_106 = arith.constant 0 : i32
    %cond3A_107 = arith.cmpi ne, %convert_element_type3A_105, %cond3A_106 : i32
    scf.if %cond3A_107 {
      %mul3A_181 = arith.constant 80 : i32
      %mul3A_182 = arith.muli %add3A_97, %mul3A_181 : i32
      "tpu.region"() ({
        %run_scoped3A_190 = tpu.sem_alloc : memref<!tpu.dma_semaphore, #tpu.memory_space<semaphore_mem>>
        %dma_start3A_191 = arith.constant 0 : i32
        %dma_start3A_192 = tpu.memref_slice %arg12[%mul3A_182, %dma_start3A_191] : memref<10016x128xf32, #tpu.memory_space<vmem_shared>> -> memref<80x128xf32, #tpu.memory_space<vmem_shared>>
        %dma_start3A_193 = arith.constant 0 : i32
        %dma_start3A_194 = tpu.memref_slice %arg12[%mul3A_182, %dma_start3A_193] : memref<10016x128xf32, #tpu.memory_space<vmem_shared>> -> memref<80x128xf32, #tpu.memory_space<vmem_shared>>
        tpu.enqueue_dma source(%dma_start3A_194 : memref<80x128xf32, #tpu.memory_space<vmem_shared>>) target(%arg13 : memref<80x128xf32, #tpu.memory_space<vmem>>) target_semaphore(%run_scoped3A_190 : memref<!tpu.dma_semaphore, #tpu.memory_space<semaphore_mem>>)
        %dma_wait3A_195 = arith.constant 0 : i32
        %dma_wait3A_196 = tpu.memref_slice %arg12[%mul3A_182, %dma_wait3A_195] : memref<10016x128xf32, #tpu.memory_space<vmem_shared>> -> memref<80x128xf32, #tpu.memory_space<vmem_shared>>
        %dma_wait3A_197 = arith.constant 0 : i32
        %dma_wait3A_198 = tpu.memref_slice %arg12[%mul3A_182, %dma_wait3A_197] : memref<10016x128xf32, #tpu.memory_space<vmem_shared>> -> memref<80x128xf32, #tpu.memory_space<vmem_shared>>
        tpu.wait_dma2 semaphore(%run_scoped3A_190 : memref<!tpu.dma_semaphore, #tpu.memory_space<semaphore_mem>>) src(%dma_wait3A_198 : memref<80x128xf32, #tpu.memory_space<vmem_shared>>) dst(%arg13 : memref<80x128xf32, #tpu.memory_space<vmem>>)
        tpu.yield
      }) : () -> ()
      %mul3A_183 = arith.constant 10000 : i32
      %mul3A_184 = arith.muli %arg0, %mul3A_183 : i32
      %add3A_185 = arith.addi %mul3A_184, %mul3A_182 : i32
      %dma_start3A_186 = arith.constant 0 : i32
      %dma_start3A_187 = tpu.memref_slice %arg7[%add3A_185, %dma_start3A_186] : memref<20000x128xf32, #tpu.memory_space<hbm>> -> memref<80x128xf32, #tpu.memory_space<hbm>>
      %dma_start3A_188 = arith.constant 0 : i32
      %dma_start3A_189 = tpu.memref_slice %arg7[%add3A_185, %dma_start3A_188] : memref<20000x128xf32, #tpu.memory_space<hbm>> -> memref<80x128xf32, #tpu.memory_space<hbm>>
      tpu.enqueue_dma source(%arg13 : memref<80x128xf32, #tpu.memory_space<vmem>>) target(%dma_start3A_189 : memref<80x128xf32, #tpu.memory_space<hbm>>) target_semaphore(%arg16 : memref<!tpu.dma_semaphore, #tpu.memory_space<semaphore_mem>>)
    } else {
    }
    %add3A_108 = arith.constant 64 : i32
    %add3A_109 = arith.addi %arg1, %add3A_108 : i32
    %dma_wait3A_110 = arith.constant 0 : i32
    %dma_wait3A_111 = arith.constant 0 : i32
    %dma_wait3A_112 = tpu.memref_slice %arg7[%dma_wait3A_110, %dma_wait3A_111] : memref<20000x128xf32, #tpu.memory_space<hbm>> -> memref<80x128xf32, #tpu.memory_space<hbm>>
    %dma_wait3A_113 = arith.constant 0 : i32
    %dma_wait3A_114 = arith.constant 0 : i32
    %dma_wait3A_115 = tpu.memref_slice %arg7[%dma_wait3A_113, %dma_wait3A_114] : memref<20000x128xf32, #tpu.memory_space<hbm>> -> memref<80x128xf32, #tpu.memory_space<hbm>>
    tpu.wait_dma2 semaphore(%arg17 : memref<!tpu.dma_semaphore, #tpu.memory_space<semaphore_mem>>) src(%arg14 : memref<80x128xf32, #tpu.memory_space<vmem>>) dst(%dma_wait3A_115 : memref<80x128xf32, #tpu.memory_space<hbm>>)
    %lt3A_116 = arith.constant 125 : i32
    %lt3A_117 = arith.cmpi slt, %add3A_109, %lt3A_116 : i32
    %convert_element_type3A_118 = arith.extui %lt3A_117 : i1 to i32
    %cond3A_119 = arith.constant 0 : i32
    %cond3A_120 = arith.cmpi ne, %convert_element_type3A_118, %cond3A_119 : i32
    scf.if %cond3A_120 {
      %mul3A_181 = arith.constant 80 : i32
      %mul3A_182 = arith.muli %add3A_109, %mul3A_181 : i32
      "tpu.region"() ({
        %run_scoped3A_190 = tpu.sem_alloc : memref<!tpu.dma_semaphore, #tpu.memory_space<semaphore_mem>>
        %dma_start3A_191 = arith.constant 0 : i32
        %dma_start3A_192 = tpu.memref_slice %arg12[%mul3A_182, %dma_start3A_191] : memref<10016x128xf32, #tpu.memory_space<vmem_shared>> -> memref<80x128xf32, #tpu.memory_space<vmem_shared>>
        %dma_start3A_193 = arith.constant 0 : i32
        %dma_start3A_194 = tpu.memref_slice %arg12[%mul3A_182, %dma_start3A_193] : memref<10016x128xf32, #tpu.memory_space<vmem_shared>> -> memref<80x128xf32, #tpu.memory_space<vmem_shared>>
        tpu.enqueue_dma source(%dma_start3A_194 : memref<80x128xf32, #tpu.memory_space<vmem_shared>>) target(%arg14 : memref<80x128xf32, #tpu.memory_space<vmem>>) target_semaphore(%run_scoped3A_190 : memref<!tpu.dma_semaphore, #tpu.memory_space<semaphore_mem>>)
        %dma_wait3A_195 = arith.constant 0 : i32
        %dma_wait3A_196 = tpu.memref_slice %arg12[%mul3A_182, %dma_wait3A_195] : memref<10016x128xf32, #tpu.memory_space<vmem_shared>> -> memref<80x128xf32, #tpu.memory_space<vmem_shared>>
        %dma_wait3A_197 = arith.constant 0 : i32
        %dma_wait3A_198 = tpu.memref_slice %arg12[%mul3A_182, %dma_wait3A_197] : memref<10016x128xf32, #tpu.memory_space<vmem_shared>> -> memref<80x128xf32, #tpu.memory_space<vmem_shared>>
        tpu.wait_dma2 semaphore(%run_scoped3A_190 : memref<!tpu.dma_semaphore, #tpu.memory_space<semaphore_mem>>) src(%dma_wait3A_198 : memref<80x128xf32, #tpu.memory_space<vmem_shared>>) dst(%arg14 : memref<80x128xf32, #tpu.memory_space<vmem>>)
        tpu.yield
      }) : () -> ()
      %mul3A_183 = arith.constant 10000 : i32
      %mul3A_184 = arith.muli %arg0, %mul3A_183 : i32
      %add3A_185 = arith.addi %mul3A_184, %mul3A_182 : i32
      %dma_start3A_186 = arith.constant 0 : i32
      %dma_start3A_187 = tpu.memref_slice %arg7[%add3A_185, %dma_start3A_186] : memref<20000x128xf32, #tpu.memory_space<hbm>> -> memref<80x128xf32, #tpu.memory_space<hbm>>
      %dma_start3A_188 = arith.constant 0 : i32
      %dma_start3A_189 = tpu.memref_slice %arg7[%add3A_185, %dma_start3A_188] : memref<20000x128xf32, #tpu.memory_space<hbm>> -> memref<80x128xf32, #tpu.memory_space<hbm>>
      tpu.enqueue_dma source(%arg14 : memref<80x128xf32, #tpu.memory_space<vmem>>) target(%dma_start3A_189 : memref<80x128xf32, #tpu.memory_space<hbm>>) target_semaphore(%arg17 : memref<!tpu.dma_semaphore, #tpu.memory_space<semaphore_mem>>)
    } else {
    }
    %add3A_121 = arith.constant 80 : i32
    %add3A_122 = arith.addi %arg1, %add3A_121 : i32
    %dma_wait3A_123 = arith.constant 0 : i32
    %dma_wait3A_124 = arith.constant 0 : i32
    %dma_wait3A_125 = tpu.memref_slice %arg7[%dma_wait3A_123, %dma_wait3A_124] : memref<20000x128xf32, #tpu.memory_space<hbm>> -> memref<80x128xf32, #tpu.memory_space<hbm>>
    %dma_wait3A_126 = arith.constant 0 : i32
    %dma_wait3A_127 = arith.constant 0 : i32
    %dma_wait3A_128 = tpu.memref_slice %arg7[%dma_wait3A_126, %dma_wait3A_127] : memref<20000x128xf32, #tpu.memory_space<hbm>> -> memref<80x128xf32, #tpu.memory_space<hbm>>
    tpu.wait_dma2 semaphore(%arg18 : memref<!tpu.dma_semaphore, #tpu.memory_space<semaphore_mem>>) src(%arg15 : memref<80x128xf32, #tpu.memory_space<vmem>>) dst(%dma_wait3A_128 : memref<80x128xf32, #tpu.memory_space<hbm>>)
    %lt3A_129 = arith.constant 125 : i32
    %lt3A_130 = arith.cmpi slt, %add3A_122, %lt3A_129 : i32
    %convert_element_type3A_131 = arith.extui %lt3A_130 : i1 to i32
    %cond3A_132 = arith.constant 0 : i32
    %cond3A_133 = arith.cmpi ne, %convert_element_type3A_131, %cond3A_132 : i32
    scf.if %cond3A_133 {
      %mul3A_181 = arith.constant 80 : i32
      %mul3A_182 = arith.muli %add3A_122, %mul3A_181 : i32
      "tpu.region"() ({
        %run_scoped3A_190 = tpu.sem_alloc : memref<!tpu.dma_semaphore, #tpu.memory_space<semaphore_mem>>
        %dma_start3A_191 = arith.constant 0 : i32
        %dma_start3A_192 = tpu.memref_slice %arg12[%mul3A_182, %dma_start3A_191] : memref<10016x128xf32, #tpu.memory_space<vmem_shared>> -> memref<80x128xf32, #tpu.memory_space<vmem_shared>>
        %dma_start3A_193 = arith.constant 0 : i32
        %dma_start3A_194 = tpu.memref_slice %arg12[%mul3A_182, %dma_start3A_193] : memref<10016x128xf32, #tpu.memory_space<vmem_shared>> -> memref<80x128xf32, #tpu.memory_space<vmem_shared>>
        tpu.enqueue_dma source(%dma_start3A_194 : memref<80x128xf32, #tpu.memory_space<vmem_shared>>) target(%arg15 : memref<80x128xf32, #tpu.memory_space<vmem>>) target_semaphore(%run_scoped3A_190 : memref<!tpu.dma_semaphore, #tpu.memory_space<semaphore_mem>>)
        %dma_wait3A_195 = arith.constant 0 : i32
        %dma_wait3A_196 = tpu.memref_slice %arg12[%mul3A_182, %dma_wait3A_195] : memref<10016x128xf32, #tpu.memory_space<vmem_shared>> -> memref<80x128xf32, #tpu.memory_space<vmem_shared>>
        %dma_wait3A_197 = arith.constant 0 : i32
        %dma_wait3A_198 = tpu.memref_slice %arg12[%mul3A_182, %dma_wait3A_197] : memref<10016x128xf32, #tpu.memory_space<vmem_shared>> -> memref<80x128xf32, #tpu.memory_space<vmem_shared>>
        tpu.wait_dma2 semaphore(%run_scoped3A_190 : memref<!tpu.dma_semaphore, #tpu.memory_space<semaphore_mem>>) src(%dma_wait3A_198 : memref<80x128xf32, #tpu.memory_space<vmem_shared>>) dst(%arg15 : memref<80x128xf32, #tpu.memory_space<vmem>>)
        tpu.yield
      }) : () -> ()
      %mul3A_183 = arith.constant 10000 : i32
      %mul3A_184 = arith.muli %arg0, %mul3A_183 : i32
      %add3A_185 = arith.addi %mul3A_184, %mul3A_182 : i32
      %dma_start3A_186 = arith.constant 0 : i32
      %dma_start3A_187 = tpu.memref_slice %arg7[%add3A_185, %dma_start3A_186] : memref<20000x128xf32, #tpu.memory_space<hbm>> -> memref<80x128xf32, #tpu.memory_space<hbm>>
      %dma_start3A_188 = arith.constant 0 : i32
      %dma_start3A_189 = tpu.memref_slice %arg7[%add3A_185, %dma_start3A_188] : memref<20000x128xf32, #tpu.memory_space<hbm>> -> memref<80x128xf32, #tpu.memory_space<hbm>>
      tpu.enqueue_dma source(%arg15 : memref<80x128xf32, #tpu.memory_space<vmem>>) target(%dma_start3A_189 : memref<80x128xf32, #tpu.memory_space<hbm>>) target_semaphore(%arg18 : memref<!tpu.dma_semaphore, #tpu.memory_space<semaphore_mem>>)
    } else {
    }
    %add3A_134 = arith.constant 96 : i32
    %add3A_135 = arith.addi %arg1, %add3A_134 : i32
    %dma_wait3A_136 = arith.constant 0 : i32
    %dma_wait3A_137 = arith.constant 0 : i32
    %dma_wait3A_138 = tpu.memref_slice %arg7[%dma_wait3A_136, %dma_wait3A_137] : memref<20000x128xf32, #tpu.memory_space<hbm>> -> memref<80x128xf32, #tpu.memory_space<hbm>>
    %dma_wait3A_139 = arith.constant 0 : i32
    %dma_wait3A_140 = arith.constant 0 : i32
    %dma_wait3A_141 = tpu.memref_slice %arg7[%dma_wait3A_139, %dma_wait3A_140] : memref<20000x128xf32, #tpu.memory_space<hbm>> -> memref<80x128xf32, #tpu.memory_space<hbm>>
    tpu.wait_dma2 semaphore(%arg16 : memref<!tpu.dma_semaphore, #tpu.memory_space<semaphore_mem>>) src(%arg13 : memref<80x128xf32, #tpu.memory_space<vmem>>) dst(%dma_wait3A_141 : memref<80x128xf32, #tpu.memory_space<hbm>>)
    %lt3A_142 = arith.constant 125 : i32
    %lt3A_143 = arith.cmpi slt, %add3A_135, %lt3A_142 : i32
    %convert_element_type3A_144 = arith.extui %lt3A_143 : i1 to i32
    %cond3A_145 = arith.constant 0 : i32
    %cond3A_146 = arith.cmpi ne, %convert_element_type3A_144, %cond3A_145 : i32
    scf.if %cond3A_146 {
      %mul3A_181 = arith.constant 80 : i32
      %mul3A_182 = arith.muli %add3A_135, %mul3A_181 : i32
      "tpu.region"() ({
        %run_scoped3A_190 = tpu.sem_alloc : memref<!tpu.dma_semaphore, #tpu.memory_space<semaphore_mem>>
        %dma_start3A_191 = arith.constant 0 : i32
        %dma_start3A_192 = tpu.memref_slice %arg12[%mul3A_182, %dma_start3A_191] : memref<10016x128xf32, #tpu.memory_space<vmem_shared>> -> memref<80x128xf32, #tpu.memory_space<vmem_shared>>
        %dma_start3A_193 = arith.constant 0 : i32
        %dma_start3A_194 = tpu.memref_slice %arg12[%mul3A_182, %dma_start3A_193] : memref<10016x128xf32, #tpu.memory_space<vmem_shared>> -> memref<80x128xf32, #tpu.memory_space<vmem_shared>>
        tpu.enqueue_dma source(%dma_start3A_194 : memref<80x128xf32, #tpu.memory_space<vmem_shared>>) target(%arg13 : memref<80x128xf32, #tpu.memory_space<vmem>>) target_semaphore(%run_scoped3A_190 : memref<!tpu.dma_semaphore, #tpu.memory_space<semaphore_mem>>)
        %dma_wait3A_195 = arith.constant 0 : i32
        %dma_wait3A_196 = tpu.memref_slice %arg12[%mul3A_182, %dma_wait3A_195] : memref<10016x128xf32, #tpu.memory_space<vmem_shared>> -> memref<80x128xf32, #tpu.memory_space<vmem_shared>>
        %dma_wait3A_197 = arith.constant 0 : i32
        %dma_wait3A_198 = tpu.memref_slice %arg12[%mul3A_182, %dma_wait3A_197] : memref<10016x128xf32, #tpu.memory_space<vmem_shared>> -> memref<80x128xf32, #tpu.memory_space<vmem_shared>>
        tpu.wait_dma2 semaphore(%run_scoped3A_190 : memref<!tpu.dma_semaphore, #tpu.memory_space<semaphore_mem>>) src(%dma_wait3A_198 : memref<80x128xf32, #tpu.memory_space<vmem_shared>>) dst(%arg13 : memref<80x128xf32, #tpu.memory_space<vmem>>)
        tpu.yield
      }) : () -> ()
      %mul3A_183 = arith.constant 10000 : i32
      %mul3A_184 = arith.muli %arg0, %mul3A_183 : i32
      %add3A_185 = arith.addi %mul3A_184, %mul3A_182 : i32
      %dma_start3A_186 = arith.constant 0 : i32
      %dma_start3A_187 = tpu.memref_slice %arg7[%add3A_185, %dma_start3A_186] : memref<20000x128xf32, #tpu.memory_space<hbm>> -> memref<80x128xf32, #tpu.memory_space<hbm>>
      %dma_start3A_188 = arith.constant 0 : i32
      %dma_start3A_189 = tpu.memref_slice %arg7[%add3A_185, %dma_start3A_188] : memref<20000x128xf32, #tpu.memory_space<hbm>> -> memref<80x128xf32, #tpu.memory_space<hbm>>
      tpu.enqueue_dma source(%arg13 : memref<80x128xf32, #tpu.memory_space<vmem>>) target(%dma_start3A_189 : memref<80x128xf32, #tpu.memory_space<hbm>>) target_semaphore(%arg16 : memref<!tpu.dma_semaphore, #tpu.memory_space<semaphore_mem>>)
    } else {
    }
    %add3A_147 = arith.constant 112 : i32
    %add3A_148 = arith.addi %arg1, %add3A_147 : i32
    %dma_wait3A_149 = arith.constant 0 : i32
    %dma_wait3A_150 = arith.constant 0 : i32
    %dma_wait3A_151 = tpu.memref_slice %arg7[%dma_wait3A_149, %dma_wait3A_150] : memref<20000x128xf32, #tpu.memory_space<hbm>> -> memref<80x128xf32, #tpu.memory_space<hbm>>
    %dma_wait3A_152 = arith.constant 0 : i32
    %dma_wait3A_153 = arith.constant 0 : i32
    %dma_wait3A_154 = tpu.memref_slice %arg7[%dma_wait3A_152, %dma_wait3A_153] : memref<20000x128xf32, #tpu.memory_space<hbm>> -> memref<80x128xf32, #tpu.memory_space<hbm>>
    tpu.wait_dma2 semaphore(%arg17 : memref<!tpu.dma_semaphore, #tpu.memory_space<semaphore_mem>>) src(%arg14 : memref<80x128xf32, #tpu.memory_space<vmem>>) dst(%dma_wait3A_154 : memref<80x128xf32, #tpu.memory_space<hbm>>)
    %lt3A_155 = arith.constant 125 : i32
    %lt3A_156 = arith.cmpi slt, %add3A_148, %lt3A_155 : i32
    %convert_element_type3A_157 = arith.extui %lt3A_156 : i1 to i32
    %cond3A_158 = arith.constant 0 : i32
    %cond3A_159 = arith.cmpi ne, %convert_element_type3A_157, %cond3A_158 : i32
    scf.if %cond3A_159 {
      %mul3A_181 = arith.constant 80 : i32
      %mul3A_182 = arith.muli %add3A_148, %mul3A_181 : i32
      "tpu.region"() ({
        %run_scoped3A_190 = tpu.sem_alloc : memref<!tpu.dma_semaphore, #tpu.memory_space<semaphore_mem>>
        %dma_start3A_191 = arith.constant 0 : i32
        %dma_start3A_192 = tpu.memref_slice %arg12[%mul3A_182, %dma_start3A_191] : memref<10016x128xf32, #tpu.memory_space<vmem_shared>> -> memref<80x128xf32, #tpu.memory_space<vmem_shared>>
        %dma_start3A_193 = arith.constant 0 : i32
        %dma_start3A_194 = tpu.memref_slice %arg12[%mul3A_182, %dma_start3A_193] : memref<10016x128xf32, #tpu.memory_space<vmem_shared>> -> memref<80x128xf32, #tpu.memory_space<vmem_shared>>
        tpu.enqueue_dma source(%dma_start3A_194 : memref<80x128xf32, #tpu.memory_space<vmem_shared>>) target(%arg14 : memref<80x128xf32, #tpu.memory_space<vmem>>) target_semaphore(%run_scoped3A_190 : memref<!tpu.dma_semaphore, #tpu.memory_space<semaphore_mem>>)
        %dma_wait3A_195 = arith.constant 0 : i32
        %dma_wait3A_196 = tpu.memref_slice %arg12[%mul3A_182, %dma_wait3A_195] : memref<10016x128xf32, #tpu.memory_space<vmem_shared>> -> memref<80x128xf32, #tpu.memory_space<vmem_shared>>
        %dma_wait3A_197 = arith.constant 0 : i32
        %dma_wait3A_198 = tpu.memref_slice %arg12[%mul3A_182, %dma_wait3A_197] : memref<10016x128xf32, #tpu.memory_space<vmem_shared>> -> memref<80x128xf32, #tpu.memory_space<vmem_shared>>
        tpu.wait_dma2 semaphore(%run_scoped3A_190 : memref<!tpu.dma_semaphore, #tpu.memory_space<semaphore_mem>>) src(%dma_wait3A_198 : memref<80x128xf32, #tpu.memory_space<vmem_shared>>) dst(%arg14 : memref<80x128xf32, #tpu.memory_space<vmem>>)
        tpu.yield
      }) : () -> ()
      %mul3A_183 = arith.constant 10000 : i32
      %mul3A_184 = arith.muli %arg0, %mul3A_183 : i32
      %add3A_185 = arith.addi %mul3A_184, %mul3A_182 : i32
      %dma_start3A_186 = arith.constant 0 : i32
      %dma_start3A_187 = tpu.memref_slice %arg7[%add3A_185, %dma_start3A_186] : memref<20000x128xf32, #tpu.memory_space<hbm>> -> memref<80x128xf32, #tpu.memory_space<hbm>>
      %dma_start3A_188 = arith.constant 0 : i32
      %dma_start3A_189 = tpu.memref_slice %arg7[%add3A_185, %dma_start3A_188] : memref<20000x128xf32, #tpu.memory_space<hbm>> -> memref<80x128xf32, #tpu.memory_space<hbm>>
      tpu.enqueue_dma source(%arg14 : memref<80x128xf32, #tpu.memory_space<vmem>>) target(%dma_start3A_189 : memref<80x128xf32, #tpu.memory_space<hbm>>) target_semaphore(%arg17 : memref<!tpu.dma_semaphore, #tpu.memory_space<semaphore_mem>>)
    } else {
    }
    %add3A_160 = arith.constant 80 : i32
    %add3A_161 = arith.addi %arg1, %add3A_160 : i32
    %lt3A_162 = arith.constant 125 : i32
    %lt3A_163 = arith.cmpi slt, %add3A_161, %lt3A_162 : i32
    %convert_element_type3A_164 = arith.extui %lt3A_163 : i1 to i32
    %cond3A_165 = arith.constant 0 : i32
    %cond3A_166 = arith.cmpi ne, %convert_element_type3A_164, %cond3A_165 : i32
    scf.if %cond3A_166 {
      %dma_wait3A_181 = arith.constant 0 : i32
      %dma_wait3A_182 = arith.constant 0 : i32
      %dma_wait3A_183 = tpu.memref_slice %arg7[%dma_wait3A_181, %dma_wait3A_182] : memref<20000x128xf32, #tpu.memory_space<hbm>> -> memref<80x128xf32, #tpu.memory_space<hbm>>
      %dma_wait3A_184 = arith.constant 0 : i32
      %dma_wait3A_185 = arith.constant 0 : i32
      %dma_wait3A_186 = tpu.memref_slice %arg7[%dma_wait3A_184, %dma_wait3A_185] : memref<20000x128xf32, #tpu.memory_space<hbm>> -> memref<80x128xf32, #tpu.memory_space<hbm>>
      tpu.wait_dma2 semaphore(%arg18 : memref<!tpu.dma_semaphore, #tpu.memory_space<semaphore_mem>>) src(%arg15 : memref<80x128xf32, #tpu.memory_space<vmem>>) dst(%dma_wait3A_186 : memref<80x128xf32, #tpu.memory_space<hbm>>)
    } else {
    }
    %add3A_167 = arith.constant 96 : i32
    %add3A_168 = arith.addi %arg1, %add3A_167 : i32
    %lt3A_169 = arith.constant 125 : i32
    %lt3A_170 = arith.cmpi slt, %add3A_168, %lt3A_169 : i32
    %convert_element_type3A_171 = arith.extui %lt3A_170 : i1 to i32
    %cond3A_172 = arith.constant 0 : i32
    %cond3A_173 = arith.cmpi ne, %convert_element_type3A_171, %cond3A_172 : i32
    scf.if %cond3A_173 {
      %dma_wait3A_181 = arith.constant 0 : i32
      %dma_wait3A_182 = arith.constant 0 : i32
      %dma_wait3A_183 = tpu.memref_slice %arg7[%dma_wait3A_181, %dma_wait3A_182] : memref<20000x128xf32, #tpu.memory_space<hbm>> -> memref<80x128xf32, #tpu.memory_space<hbm>>
      %dma_wait3A_184 = arith.constant 0 : i32
      %dma_wait3A_185 = arith.constant 0 : i32
      %dma_wait3A_186 = tpu.memref_slice %arg7[%dma_wait3A_184, %dma_wait3A_185] : memref<20000x128xf32, #tpu.memory_space<hbm>> -> memref<80x128xf32, #tpu.memory_space<hbm>>
      tpu.wait_dma2 semaphore(%arg16 : memref<!tpu.dma_semaphore, #tpu.memory_space<semaphore_mem>>) src(%arg13 : memref<80x128xf32, #tpu.memory_space<vmem>>) dst(%dma_wait3A_186 : memref<80x128xf32, #tpu.memory_space<hbm>>)
    } else {
    }
    %add3A_174 = arith.constant 112 : i32
    %add3A_175 = arith.addi %arg1, %add3A_174 : i32
    %lt3A_176 = arith.constant 125 : i32
    %lt3A_177 = arith.cmpi slt, %add3A_175, %lt3A_176 : i32
    %convert_element_type3A_178 = arith.extui %lt3A_177 : i1 to i32
    %cond3A_179 = arith.constant 0 : i32
    %cond3A_180 = arith.cmpi ne, %convert_element_type3A_178, %cond3A_179 : i32
    scf.if %cond3A_180 {
      %dma_wait3A_181 = arith.constant 0 : i32
      %dma_wait3A_182 = arith.constant 0 : i32
      %dma_wait3A_183 = tpu.memref_slice %arg7[%dma_wait3A_181, %dma_wait3A_182] : memref<20000x128xf32, #tpu.memory_space<hbm>> -> memref<80x128xf32, #tpu.memory_space<hbm>>
      %dma_wait3A_184 = arith.constant 0 : i32
      %dma_wait3A_185 = arith.constant 0 : i32
      %dma_wait3A_186 = tpu.memref_slice %arg7[%dma_wait3A_184, %dma_wait3A_185] : memref<20000x128xf32, #tpu.memory_space<hbm>> -> memref<80x128xf32, #tpu.memory_space<hbm>>
      tpu.wait_dma2 semaphore(%arg17 : memref<!tpu.dma_semaphore, #tpu.memory_space<semaphore_mem>>) src(%arg14 : memref<80x128xf32, #tpu.memory_space<vmem>>) dst(%dma_wait3A_186 : memref<80x128xf32, #tpu.memory_space<hbm>>)
    } else {
    }
    "tpu.region"() ({
      %run_scoped3A_181 = tpu.sem_alloc : memref<!tpu.dma_semaphore, #tpu.memory_space<semaphore_mem>>
      %dma_start3A_182 = arith.constant 0 : i32
      %dma_start3A_183 = tpu.memref_slice %arg8[%add3A, %dma_start3A_182] : memref<32x10240xf32, #tpu.memory_space<hbm>> -> memref<1x10240xf32, #tpu.memory_space<hbm>>
      %dma_start3A_184 = tpu.memref_squeeze %dma_start3A_183 : memref<1x10240xf32, #tpu.memory_space<hbm>> -> memref<10240xf32, #tpu.memory_space<hbm>>
      %dma_start3A_185 = arith.constant 0 : i32
      %dma_start3A_186 = tpu.memref_slice %arg8[%add3A, %dma_start3A_185] : memref<32x10240xf32, #tpu.memory_space<hbm>> -> memref<1x10240xf32, #tpu.memory_space<hbm>>
      %dma_start3A_187 = tpu.memref_squeeze %dma_start3A_186 : memref<1x10240xf32, #tpu.memory_space<hbm>> -> memref<10240xf32, #tpu.memory_space<hbm>>
      tpu.enqueue_dma source(%arg11 : memref<10240xf32, #tpu.memory_space<vmem>>) target(%dma_start3A_187 : memref<10240xf32, #tpu.memory_space<hbm>>) target_semaphore(%run_scoped3A_181 : memref<!tpu.dma_semaphore, #tpu.memory_space<semaphore_mem>>)
      %dma_wait3A_188 = arith.constant 0 : i32
      %dma_wait3A_189 = tpu.memref_slice %arg8[%add3A, %dma_wait3A_188] : memref<32x10240xf32, #tpu.memory_space<hbm>> -> memref<1x10240xf32, #tpu.memory_space<hbm>>
      %dma_wait3A_190 = tpu.memref_squeeze %dma_wait3A_189 : memref<1x10240xf32, #tpu.memory_space<hbm>> -> memref<10240xf32, #tpu.memory_space<hbm>>
      %dma_wait3A_191 = arith.constant 0 : i32
      %dma_wait3A_192 = tpu.memref_slice %arg8[%add3A, %dma_wait3A_191] : memref<32x10240xf32, #tpu.memory_space<hbm>> -> memref<1x10240xf32, #tpu.memory_space<hbm>>
      %dma_wait3A_193 = tpu.memref_squeeze %dma_wait3A_192 : memref<1x10240xf32, #tpu.memory_space<hbm>> -> memref<10240xf32, #tpu.memory_space<hbm>>
      tpu.wait_dma2 semaphore(%run_scoped3A_181 : memref<!tpu.dma_semaphore, #tpu.memory_space<semaphore_mem>>) src(%arg11 : memref<10240xf32, #tpu.memory_space<vmem>>) dst(%dma_wait3A_193 : memref<10240xf32, #tpu.memory_space<hbm>>)
      tpu.yield
    }) : () -> ()
    return
  }
}

</mosaic_0001>

<sc_bundles>
// kernel: _seg_sum.3.cloned.1.call-start
scs
__scs_entry_jumppad:
0x0: {  	(pc) =	sbr.rel $0x88, $3  }
0x1: {  	(tag) =	ssettag $0x0;
	lr =	simm.s32 $0x1  }
0x2: {  	[smem:$0x3F9C] =	sst lr;
	_ =	strace $0xD0000000  }
0x3: {  	_ = 	snop  }
0x4: {  	_ = 	snop  }
0x5: {  	_ = 	snop  }
0x6: {  	_ = 	snop  }
0x7: {  	_ = 	snop  }
__scs_overlays_trampoline_lowered:
0x8: {  	[smem:$0x3FAB] =	sst s0  }
0x9: {  	[smem:$0x3FAC] =	sst s1  }
0xa: {  	[smem:$0x3FAD] =	sst s2  }
0xb: {  	[smem:$0x3FAE] =	sst s3  }
0xc: {  	[smem:$0x3FAF] =	sst s4  }
0xd: {  	[smem:$0x3FB0] =	sst s5  }
0xe: {  	[smem:$0x3FB1] =	sst s6  }
0xf: {  	[smem:$0x3FB2] =	sst s7  }
0x10: {  	[smem:$0x3FB3] =	sst s8  }
0x11: {  	[smem:$0x3FB4] =	sst s9;
	s0 =	simm.s32 @!p0 $0x0  }
0x12: {  	s1 =	sld [smem:$0x3F9A];
	s0 =	simm.s32 @p0 $0x1  }
0x13: {  	[smem:$0x3FB5] =	sst s0;
	s0 =	simm.s32 @!p1 $0x0  }
0x14: {  	s2 =	sld [smem:$0x3F99];
	s0 =	simm.s32 @p1 $0x1  }
0x15: {  	[smem:$0x3FB6] =	sst s0;
	s0 =	simm.s32 @!p2 $0x0  }
0x16: {  	s3 =	sld [smem:$0x3FDB];
	s0 =	simm.s32 @p2 $0x1  }
0x17: {  	s4 =	simm.s32 $0x1BF5;
	[smem:$0x3FB8] =	sst s0  }
0x18: {  	s0 =	sld [smem:$0x3F9B];
	_ =	swait.ge [sflag:s4], $0x0  }
0x19: {  	s7 =	sld [smem:$0x3F9C]  }
0x1a: {  	s8 =	sadd.s32 $0xFFFFE003, lr  }
0x1b: {  	s9 =	sadd.s32 $0xFFFFFEF7, lr;
	s5 =	simm.s32 $0xFFFFFFFF;
	p2 =	slt.u32 s8, $0xFFFFF086  }
0x1c: {  	p1 =	slt.u32 s9, $0xF7A;
	s5 =	simm.s32 @!p2 $0x0  }
0x1d: {  	s5 =	simm.s32 @p1 $0x1;
	p0 =	seq.s32 s7, s2  }
0x1e: {  	s7 =	smul.u32 @!p0 $0xF7A, s2;
	p2 =	seq.s32 @!p0 s5, $0x0  }
0x1f: {  	s9 =	smul.u32 $0xF7A, s1;
	s8 =	simm.s32 @!p0 $0x1BF5;
	p2 =	por !p2, p0  }
0x20: {  	[sflag:s8] =	ssyncset.s32 @!p0 $0xFFFFF086;
	s6 =	sadd.s32 @!p0 s3, s7;
	s7 =	simm.s32 @!p0 $0x108  }
0x21: {  	s3 =	sadd.s32 s3, s9;
	s6 =	sadd.s32 @!p0 $0x88, s6;
	s7 =	simm.s32 @p2 $0x1082  }
0x22: {  	[simem:s7], [sflag:s8] =	dma.local @!p0 [hbm:s6], $0xF7A  }
0x23: {  	s9 =	sor.u32 $0xD0000000, s2;
	s6 =	simm.s32 $0x108;
	_ =	swait.ge @!p0 [sflag:s8], $0x0  }
0x24: {  	s3 =	sadd.s32 $0x88, s3;
	s6 =	simm.s32 @!p1 $0x1082;
	[sflag:s4] =	ssyncset.s32 $0xFFFFF086  }
0x25: {  	[simem:s6], [sflag:s4] =	dma.local [hbm:s3], $0xF7A  }
0x26: {  	[smem:$0x3F9C] =	sst s1;
	(tag) =	ssettag s2;
	_ =	strace s9  }
0x27: {  	s1 =	sld [smem:$0x3FAC]  }
0x28: {  	s2 =	sld [smem:$0x3FAD]  }
0x29: {  	s4 =	sld [smem:$0x3FAF]  }
0x2a: {  	p0 =	seq.s32 s5, $0x0;
	s5 =	sld [smem:$0x3FB0]  }
0x2b: {  	s6 =	sld [smem:$0x3FB1]  }
0x2c: {  	s7 =	sld [smem:$0x3FB2]  }
0x2d: {  	s3 =	simm.s32 $0x108;
	s8 =	sld [smem:$0x3FB3]  }
0x2e: {  	s3 =	simm.s32 @!p0 $0x1082;
	s9 =	sld [smem:$0x3FB4]  }
0x2f: {  	lr =	sadd.s32 s0, s3;
	s0 =	sld [smem:$0x3FAB]  }
0x30: {  	s3 =	sld [smem:$0x3FAE]  }
0x31: {  	[smem:$0x3FB7] =	sst s10  }
0x32: {  	s10 =	sld [smem:$0x3FB5];
	_ =	sdelay $0x3  }
0x33: {  	p0 =	seq.s32 s10, $0x1;
	s10 =	sld [smem:$0x3FB7];
	_ =	sdelay $0x3  }
0x34: {  	[smem:$0x3FB7] =	sst s10  }
0x35: {  	s10 =	sld [smem:$0x3FB6];
	_ =	sdelay $0x3  }
0x36: {  	p1 =	seq.s32 s10, $0x1;
	s10 =	sld [smem:$0x3FB7];
	_ =	sdelay $0x3  }
0x37: {  	[smem:$0x3FB7] =	sst s10  }
0x38: {  	s10 =	sld [smem:$0x3FB8]  }
0x39: {  	_ = 	snop;
	(pc) =	sbr.ind lr, $3  }
0x3a: {  	_ = 	snop  }
0x3b: {  	_ = 	snop  }
0x3c: {  	p2 =	seq.s32 s10, $0x1;
	s10 =	sld [smem:$0x3FB7]  }
0x3d: {  	_ =	shalt  }
0x3e: {  	_ =	shalt  }
0x3f: {  	_ =	shalt  }
0x40: {  	_ =	shalt  }
0x41: {  	_ =	shalt  }
0x42: {  	_ =	shalt  }
0x43: {  	_ =	shalt  }
0x44: {  	_ =	shalt  }
0x45: {  	_ =	shalt  }
0x46: {  	_ =	shalt  }
0x47: {  	_ =	shalt  }
0x48: {  	_ =	shalt  }
0x49: {  	_ =	shalt  }
0x4a: {  	_ =	shalt  }
0x4b: {  	_ =	shalt  }
0x4c: {  	_ =	shalt  }
0x4d: {  	_ =	shalt  }
0x4e: {  	_ =	shalt  }
0x4f: {  	_ =	shalt  }
0x50: {  	_ =	shalt  }
0x51: {  	_ =	shalt  }
0x52: {  	_ =	shalt  }
0x53: {  	_ =	shalt  }
0x54: {  	_ =	shalt  }
0x55: {  	_ =	shalt  }
0x56: {  	_ =	shalt  }
0x57: {  	_ =	shalt  }
0x58: {  	_ =	shalt  }
0x59: {  	_ =	shalt  }
0x5a: {  	_ =	shalt  }
0x5b: {  	_ =	shalt  }
0x5c: {  	_ =	shalt  }
0x5d: {  	_ =	shalt  }
0x5e: {  	_ =	shalt  }
0x5f: {  	_ =	shalt  }
0x60: {  	_ =	shalt  }
0x61: {  	_ =	shalt  }
0x62: {  	_ =	shalt  }
0x63: {  	_ =	shalt  }
0x64: {  	_ =	shalt  }
0x65: {  	_ =	shalt  }
0x66: {  	_ =	shalt  }
0x67: {  	_ =	shalt  }
0x68: {  	_ =	shalt  }
0x69: {  	_ =	shalt  }
0x6a: {  	_ =	shalt  }
0x6b: {  	_ =	shalt  }
0x6c: {  	_ =	shalt  }
0x6d: {  	_ =	shalt  }
0x6e: {  	_ =	shalt  }
0x6f: {  	_ =	shalt  }
0x70: {  	_ =	shalt  }
0x71: {  	_ =	shalt  }
0x72: {  	_ =	shalt  }
0x73: {  	_ =	shalt  }
0x74: {  	_ =	shalt  }
0x75: {  	_ =	shalt  }
0x76: {  	_ =	shalt  }
0x77: {  	_ =	shalt  }
0x78: {  	_ =	shalt  }
0x79: {  	_ =	shalt  }
0x7a: {  	_ =	shalt  }
0x7b: {  	_ =	shalt  }
0x7c: {  	_ =	shalt  }
0x7d: {  	_ =	shalt  }
0x7e: {  	_ =	shalt  }
0x7f: {  	_ =	shalt  }
0x80: {  	_ =	shalt  }
0x81: {  	_ =	shalt  }
0x82: {  	_ =	shalt  }
0x83: {  	_ =	shalt  }
0x84: {  	_ =	shalt  }
0x85: {  	_ =	shalt  }
0x86: {  	_ =	shalt  }
0x87: {  	_ =	shalt  }
.Lfunc_end0:
.L_simem_size_0:
called_computation_lowered:
.L_overlay_start_0:
0x88: {  	s2 =	sld [smem:$0x3FD9]  }
0x89: {  	s3 =	sld [smem:$0x3FFE];
	_ =	sdelay $0x1  }
0x8a: {  	s1 =	srdreg.scid  }
0x8b: {  	s0 =	sand.u32 $0x1, s1  }
0x8c: {  	s14 =	sshll.u32 s0, $0xA;
	s2 =	sadd.s32 s3, s2  }
0x8d: {  	s2 =	sadd.s32 s2, s14  }
0x8e: {  	[smem:$0x3FC3] =	sst s2  }
0x8f: {  	_ = 	snop  }
0x90: {  	s2 =	sld [smem:$0x3FD0]  }
0x91: {  	s15 =	sld [smem:$0x3FC9]  }
0x92: {  	s4 =	sld [smem:$0x3FC6]  }
0x93: {  	s6 =	simm.s32 $0xA;
	s7 =	simm.s32 $0x10;
	s5 =	sld [smem:$0x3FC5]  }
0x94: {  	[smem:s7], [sflag:s6] =	dma.local [hbm:s2], $0x1  }
0x95: {  	_ =	swait.eq [sflag:s6], $0x1  }
0x96: {  	[sflag:s6] =	ssyncset.done $0x0  }
0x97: {  	s16 =	sld [smem:$0x10];
	[sflag:s6] =	ssyncadd.s32 $0xFFFFFFFF  }
0x98: {  	s17 =	sld [smem:$0x11];
	(tm) =	ssettm $0x1  }
0x99: {  	s18 =	sld [smem:$0x3FFB];
	_ =	sdelay $0x3  }
0x9a: {  	_ =	strace s18  }
0x9b: {  	s7 =	sld [smem:$0x3FFC];
	_ =	sdelay $0x3  }
0x9c: {  	_ =	strace s7  }
0x9d: {  	s7 =	sld [smem:$0x3FFD];
	_ =	sdelay $0x3  }
0x9e: {  	_ =	strace s7  }
0x9f: {  	_ =	strace $0x8FFFFFFF  }
0xa0: {  	s19 =	sld [smem:$0x3FDB];
	_ =	sdelay $0x1  }
0xa1: {  	s8 =	simm.s32 $_scs_section_size  }
0xa2: {  	s9 =	simm.s32 $_size__tile_overlayer_lowered;
	s10 =	simm.s32 $_tile_overlayer_lowered  }
0xa3: {  	s22 =	simm.s32 $0x1BFF;
	s21 =	sshll.u32 s10, $0x1;
	s7 =	sadd.s32 s8, s19  }
0xa4: {  	s11 =	simm.s32 $0x0;
	s20 =	sshll.u32 s9, $0x1;
	s9 =	sadd.s32 s21, s7  }
0xa5: {  	[timem:s11], [sflag:s22] =	dma.local [hbm:s9], s20  }
0xa6: {  	_ =	swait.ge [sflag:s22], s20  }
0xa7: {  	s8 =	ssub.s32 $0x0, s20;
	[sflag:s22] =	ssyncset.done $0x0  }
0xa8: {  	[sflag:s22] =	ssyncadd.s32 s8;
	_ =	sdelay $0x1  }
0xa9: {  	s23 =	simm.s32 $0x1B8B  }
0xaa: {  	_ =	swait.ge [sflag:s23], $0x1  }
0xab: {  	[sflag:s23] =	ssyncset.done $0x0  }
0xac: {  	s25 =	simm.s32 $0x1B8E;
	s24 =	sld [smem:$0x3FFE];
	[sflag:s23] =	ssyncadd.s32 $0xFFFFFFFF  }
0xad: {  	s26 =	simm.s32 $execute0_lowered;
	[smem:$0x3FD2] =	sst s25  }
0xae: {  	s9 =	sshll.u32 s26, $0x1;
	_ =	strace $0x80000046;
	[dreg:$0x1] =	wrdreg $0xFFFFFFFF  }
0xaf: {  	s28 =	simm.s32 $_size_execute0_lowered;
	s7 =	sadd.s32 s7, s9;
	[dreg:$0x0] =	wrdreg $0x0  }
0xb0: {  	s9 =	sshll.u32 s28, $0x1;
	[dreg:$0x2] =	wrdreg s7  }
0xb1: {  	[dreg:$0x3] =	wrdreg s9  }
0xb2: {  	[dreg:$0x4] =	wrdreg $0xC0  }
0xb3: {  	_ =	task [dreg:s11], $0x5FFFF  }
0xb4: {  	[dreg:$0x1] =	wrdreg $0xFFFFFFFF  }
0xb5: {  	[dreg:$0x0] =	wrdreg $0x60  }
0xb6: {  	[dreg:$0x2] =	wrdreg s15  }
0xb7: {  	[dreg:$0x3] =	wrdreg s24  }
0xb8: {  	[dreg:$0x4] =	wrdreg s4  }
0xb9: {  	[dreg:$0x5] =	wrdreg s5  }
0xba: {  	[dreg:$0x6] =	wrdreg s16  }
0xbb: {  	[dreg:$0x7] =	wrdreg s17  }
0xbc: {  	[dreg:$0x8] =	wrdreg $0x38000  }
0xbd: {  	[dreg:$0x9] =	wrdreg $0x9  }
0xbe: {  	_ =	task.clear_ibuf [dreg:s11], $0xAFFFF;
	_ =	strace $0x90000046  }
0xbf: {  	s29 =	simm.s32 $0x9;
	_ =	strace $0x80000048  }
0xc0: {  	_ =	swait.ge [sflag:s29], $0x1  }
0xc1: {  	[sflag:s29] =	ssyncadd.s32 $0xFFFFFFFF  }
0xc2: {  	_ =	strace $0x90000048  }
0xc3: {  	_ =	sfence  }
0xc4: {  	s30 =	sld [smem:$0x0];
	_ =	sdelay $0x2  }
0xc5: {  	s31 =	sshll.u32 s1, $0xD;
	s1 =	sshrl.u32 s1, $0x2  }
0xc6: {  	s3 =	sand.u32 $0x4000, s31;
	s1 =	sadd.s32 s1, s30  }
0xc7: {  	s0 =	sor.u32 s3, s0;
	s1 =	sshll.u32 s1, $0x11  }
0xc8: {  	s0 =	sor.u32 s1, s0  }
0xc9: {  	s0 =	sadd.s32 $0x8F2B, s0  }
0xca: {  	[sflag:s0] =	ssyncadd.remote.s32 $0x1  }
0xcb: {  	_ =	sfence.sel $0xFFFF  }
0xcc: {  	[dreg:$0x0] =	wrdreg $0xFFFFFFFF;
	(pc) =	sbr.abs _section_cstart, $3  }
0xcd: {  	[dreg:$0x1] =	wrdreg $0xFFFFFFFF  }
0xce: {  	_ =	task.clear_ibuf [dreg:s11], $0x2FFFF;
	_ =	strace $0x9FFFFFFF  }
0xcf: {  	(tm) =	ssettm $0x7FFFFFFF  }
tec
execute0_lowered:
.L_overlay_start_1:
0x0: {  	(tag) =	ssettag $0x1  }
0x1: {  	s0 =	rddreg [dreg:$0x0]  }
0x2: {  	s1 =	srdreg.scid;
	s9 =	rddreg [dreg:$0x1]  }
0x3: {  	s10 =	rddreg [dreg:$0x4];
	s26 =	stileid.u32  }
0x4: {  	s11 =	rddreg [dreg:$0x5];
	s3 =	sand.u32 $0x1, s1;
	s5 =	smul.u32 $0x50, s26  }
0x5: {  	s2 =	simm.s32 $0x0;
	s13 =	sor.u32 $0x10, s26;
	s12 =	smul.u32 $0x2710, s3  }
0x6: {  	s31 =	simm.s32 $0x5;
	s15 =	sor.u32 $0x20, s26;
	s23 =	smul.u32 $0x50, s13  }
0x7: {  	s6 =	sor.u32 $0x40, s26;
	s8 =	sor.u32 $0x60, s26;
	s7 =	smul.u32 $0x50, s15  }
0x8: {  	s25 =	sshll.u32 s26, $0x7;
	[smem:$0x7FF] =	sst s2;
	s19 =	smul.u32 $0x50, s6  }
0x9: {  	s1 =	ssub.s32 $0x2, s3;
	s22 =	sshll.u32 s3, $0x4;
	s3 =	smul.u32 $0x15000, s3  }
0xa: {  	p1 =	sgt.u32 s26, $0xC;
	s25 =	sand.u32 $0x380, s25;
	s6 =	smul.u32 $0xA000, s6  }
0xb: {  	s4 =	sshrl.u32 s1, $0x1;
	s14 =	sor.u32 s26, s22;
	s22 =	smul.u32 $0x50, s8  }
0xc: {  	s8 =	smul.u32 $0xA000, s8;
	s1 =	ssub.s32 s1, s4;
	s16 =	sadd.s32 s5, s12  }
0xd: {  	s5 =	sor.u32 $0x30, s26;
	s17 =	sadd.s32 s12, s23;
	s18 =	sadd.s32 s12, s7  }
0xe: {  	s7 =	sor.u32 $0x50, s26;
	s19 =	sadd.s32 s12, s19;
	s24 =	smul.u32 $0x50, s5  }
0xf: {  	s4 =	sor.u32 $0x70, s26;
	s6 =	sshrl.u32 s6, $0x2;
	s21 =	smul.u32 $0x50, s7  }
0x10: {  	s23 =	smul.u32 $0x50, s4;
	s22 =	sadd.s32 s12, s22;
	s16 =	sshll.u32 s16, $0x4  }
0x11: {  	s17 =	sshll.u32 s17, $0x4;
	s19 =	sshll.u32 s19, $0x4;
	p0 =	sgt.u32 s4, $0x7C  }
0x12: {  	s4 =	smul.u32 $0xA000, s4;
	s1 =	smax.u32 s1, $0x1;
	s16 =	sadd.s32 s10, s16  }
0x13: {  	s20 =	sadd.s32 s12, s24;
	s24 =	sshrl.u32 s14, $0x3;
	s14 =	smul.u32 $0x1500, s14  }
0x14: {  	s21 =	sadd.s32 s12, s21;
	s12 =	sadd.s32 s12, s23;
	s24 =	smul.u32 $0x14000, s24  }
0x15: {  	[dreg:$0x8] =	wrdreg s16;
	s4 =	sshrl.u32 s4, $0x2;
	s21 =	sshll.u32 s21, $0x4  }
0x16: {  	s12 =	sshll.u32 s12, $0x4;
	s23 =	sor.u32 s25, s24;
	s24 =	sadd.s32 $0x800, s9  }
0x17: {  	s9 =	sadd.s32 $0x2A800, s9;
	s25 =	sadd.s32 s10, s17;
	s17 =	sshll.u32 s18, $0x4  }
0x18: {  	s18 =	sshll.u32 s20, $0x4;
	s20 =	sadd.s32 s10, s19;
	[dreg:$0x9] =	wrdreg s25  }
0x19: {  	s19 =	sor.u32 $0x80, s14;
	s16 =	sadd.s32 s10, s17;
	[dreg:$0xc] =	wrdreg s20  }
0x1a: {  	s25 =	sshll.u32 s22, $0x4;
	s17 =	sshrl.u32 s23, $0x3;
	s20 =	sadd.s32 s9, s14  }
0x1b: {  	s22 =	smul.u32 $0xA000, s13;
	s23 =	sadd.s32 s3, s24;
	[dreg:$0xa] =	wrdreg s16  }
0x1c: {  	s3 =	sadd.s32 s3, s9;
	s16 =	sadd.s32 s10, s18;
	[dreg:$0x12] =	wrdreg s20  }
0x1d: {  	s13 =	smul.u32 $0xA000, s26;
	s18 =	sadd.s32 s24, s14;
	[dreg:$0xb] =	wrdreg s16  }
0x1e: {  	s14 =	smul.u32 $0xA000, s5;
	s16 =	sadd.s32 s10, s21;
	[dreg:$0x10] =	wrdreg s18  }
0x1f: {  	s21 =	sadd.s32 s24, s19;
	s24 =	smul.u32 $0x1500, s26;
	s26 =	simm.s32 $0x0  }
0x20: {  	[dreg:$0xd] =	wrdreg s16;
	s16 =	sadd.s32 s10, s25;
	s10 =	sadd.s32 s10, s12  }
0x21: {  	[dreg:$0x13] =	wrdreg s21;
	s25 =	smul.u32 $0xA000, s15;
	s15 =	sshrl.u32 s13, $0x2  }
0x22: {  	s12 =	simm.s32 $0x3;
	s13 =	simm.s32 $0x900;
	[dreg:$0xe] =	wrdreg s16  }
0x23: {  	[dreg:$0xf] =	wrdreg s10;
	s10 =	sadd.s32 s11, s17;
	s20 =	sadd.s32 s24, s23  }
0x24: {  	s21 =	sadd.s32 s24, s3;
	s17 =	smul.u32 $0xA000, s7;
	s3 =	sshrl.u32 s14, $0x2  }
0x25: {  	s23 =	sshrl.u32 s8, $0x2;
	s7 =	simm.s32 $0x19900;
	s8 =	simm.s32 $0x1C100  }
0x26: {  	s11 =	simm.s32 $0x880;
	s14 =	simm.s32 $0x8;
	[dreg:$0x11] =	wrdreg s10  }
0x27: {  	s10 =	sadd.s32 s9, s19;
	s19 =	rddreg [dreg:$0x6];
	s18 =	sshrl.u32 s25, $0x2  }
0x28: {  	s9 =	simm.s32 $0x1;
	[dreg:$0x14] =	wrdreg s10;
	s10 =	sshrl.u32 s22, $0x2  }
0x29: {  	s5 =	sadd.s32 s15, s19;
	s28 =	sadd.s32 s18, s19;
	s29 =	sadd.s32 s3, s19  }
0x2a: {  	s30 =	sadd.s32 s6, s19;
	s22 =	sshrl.u32 s17, $0x2;
	s24 =	sadd.s32 s23, s19  }
0x2b: {  	s25 =	sadd.s32 s4, s19;
	_ =	strace $0x80000047;
	[dreg:$0x15] =	wrdreg s5  }
0x2c: {  	s17 =	simm.s32 $0x9;
	s18 =	simm.s32 $0xC00;
	[dreg:$0x1b] =	wrdreg s24  }
0x2d: {  	s4 =	simm.s32 $0x17100;
	s15 =	simm.s32 $0x4;
	[dreg:$0x1c] =	wrdreg s25  }
0x2e: {  	s6 =	simm.s32 $0x480;
	s23 =	simm.s32 $0x500;
	[dreg:$0x1d] =	wrdreg s1  }
.Ltmp0:
0x2f: {  	s16 =	sadd.s32 s10, s19;
	[dreg:$0x17] =	wrdreg s28;
	(pc) =	sbr.rel .LBB2_1-.Ltmp0, $4  }
0x30: {  	s3 =	sadd.s32 s22, s19;
	s5 =	simm.s32 $0x50;
	[dreg:$0x18] =	wrdreg s29  }
0x31: {  	s10 =	simm.s32 $0x2;
	s22 =	simm.s32 $0x6;
	[dreg:$0x19] =	wrdreg s30  }
0x32: {  	s24 =	simm.s32 $0xC80;
	s25 =	simm.s32 $0xD00;
	[dreg:$0x16] =	wrdreg s16  }
0x33: {  	v0 =	vimm.f32 $1.000000000e+00;
	[dreg:$0x1a] =	wrdreg s3;
	s16 =	simm.s32 $0x400;
	s3 =	simm.s32 $0x1000  }
.LBB2_4:
0x34: {  	[bflag:$0x0] =	sbarrier.arrive $0xFFFF  }
0x35: {  	s1 =	rddreg [dreg:$0x15]  }
0x36: {  	[tilespmem:s4], [sflag:$0x9] =	stream.linear.gather [spmem:s1], $0x2800, $0x38;
	[tilespmem:$0x1E900] =	vst v63  }
0x37: {  	_ =	swait.ge [sflag:s17], $0x2800  }
0x38: {  	[sflag:s17] =	ssyncset.done $0x0  }
0x39: {  	s26 =	rddreg [dreg:$0x8];
	[sflag:s17] =	ssyncadd.s32 $0xFFFFD800  }
0x3a: {  	[hbm4b:s26+s2] =	stream.linear.scatter [tilespmem:s4], [sflag:$0x1], $0x2800, $0x38;
	[tilespmem:$0x1E900] =	vst v63  }
0x3b: {  	s26 =	rddreg [dreg:$0x16]  }
0x3c: {  	[tilespmem:s7], [sflag:$0x9] =	stream.linear.gather [spmem:s26], $0x2800, $0x38;
	[tilespmem:$0x1E900] =	vst v63  }
0x3d: {  	_ =	swait.ge [sflag:s17], $0x2800  }
0x3e: {  	[sflag:s17] =	ssyncset.done $0x0  }
0x3f: {  	s26 =	rddreg [dreg:$0x9];
	[sflag:s17] =	ssyncadd.s32 $0xFFFFD800  }
0x40: {  	[hbm4b:s26+s2] =	stream.linear.scatter [tilespmem:s7], [sflag:$0x2], $0x2800, $0x38;
	[tilespmem:$0x1E900] =	vst v63  }
0x41: {  	s26 =	rddreg [dreg:$0x17]  }
0x42: {  	[tilespmem:s8], [sflag:$0x9] =	stream.linear.gather [spmem:s26], $0x2800, $0x38;
	[tilespmem:$0x1E900] =	vst v63  }
0x43: {  	_ =	swait.ge [sflag:s17], $0x2800  }
0x44: {  	[sflag:s17] =	ssyncset.done $0x0  }
0x45: {  	s26 =	rddreg [dreg:$0xa];
	[sflag:s17] =	ssyncadd.s32 $0xFFFFD800  }
0x46: {  	[hbm4b:s26+s2] =	stream.linear.scatter [tilespmem:s8], [sflag:$0x3], $0x2800, $0x38;
	[tilespmem:$0x1E900] =	vst v63  }
0x47: {  	_ =	swait.ge [sflag:s9], $0x2800  }
0x48: {  	[sflag:s9] =	ssyncset.done $0x0  }
0x49: {  	s29 =	rddreg [dreg:$0x18];
	[sflag:s9] =	ssyncadd.s32 $0xFFFFD800  }
0x4a: {  	[tilespmem:s4], [sflag:$0x9] =	stream.linear.gather [spmem:s29], $0x2800, $0x38;
	[tilespmem:$0x1E900] =	vst v63  }
0x4b: {  	_ =	swait.ge [sflag:s17], $0x2800  }
0x4c: {  	[sflag:s17] =	ssyncset.done $0x0  }
0x4d: {  	s26 =	rddreg [dreg:$0xb];
	[sflag:s17] =	ssyncadd.s32 $0xFFFFD800  }
0x4e: {  	[hbm4b:s26+s2] =	stream.linear.scatter [tilespmem:s4], [sflag:$0x1], $0x2800, $0x38;
	[tilespmem:$0x1E900] =	vst v63  }
0x4f: {  	_ =	swait.ge [sflag:s10], $0x2800  }
0x50: {  	[sflag:s10] =	ssyncset.done $0x0  }
0x51: {  	s30 =	rddreg [dreg:$0x19];
	[sflag:s10] =	ssyncadd.s32 $0xFFFFD800  }
0x52: {  	[tilespmem:s7], [sflag:$0x9] =	stream.linear.gather [spmem:s30], $0x2800, $0x38;
	[tilespmem:$0x1E900] =	vst v63  }
0x53: {  	_ =	swait.ge [sflag:s17], $0x2800  }
0x54: {  	[sflag:s17] =	ssyncset.done $0x0  }
0x55: {  	s26 =	rddreg [dreg:$0xc];
	[sflag:s17] =	ssyncadd.s32 $0xFFFFD800  }
0x56: {  	[hbm4b:s26+s2] =	stream.linear.scatter [tilespmem:s7], [sflag:$0x2], $0x2800, $0x38;
	[tilespmem:$0x1E900] =	vst v63  }
0x57: {  	_ =	swait.ge [sflag:s12], $0x2800  }
0x58: {  	[sflag:s12] =	ssyncset.done $0x0  }
0x59: {  	s26 =	rddreg [dreg:$0x1a];
	[sflag:s12] =	ssyncadd.s32 $0xFFFFD800  }
0x5a: {  	[tilespmem:s8], [sflag:$0x9] =	stream.linear.gather [spmem:s26], $0x2800, $0x38;
	[tilespmem:$0x1E900] =	vst v63  }
0x5b: {  	_ =	swait.ge [sflag:s17], $0x2800  }
0x5c: {  	[sflag:s17] =	ssyncset.done $0x0  }
0x5d: {  	s26 =	rddreg [dreg:$0xd];
	[sflag:s17] =	ssyncadd.s32 $0xFFFFD800  }
0x5e: {  	[hbm4b:s26+s2] =	stream.linear.scatter [tilespmem:s8], [sflag:$0x3], $0x2800, $0x38;
	[tilespmem:$0x1E900] =	vst v63  }
0x5f: {  	_ =	swait.ge [sflag:s9], $0x2800  }
0x60: {  	[sflag:s9] =	ssyncset.done $0x0  }
0x61: {  	s26 =	rddreg [dreg:$0x1b];
	[sflag:s9] =	ssyncadd.s32 $0xFFFFD800  }
0x62: {  	[tilespmem:s4], [sflag:$0x9] =	stream.linear.gather [spmem:s26], $0x2800, $0x38;
	[tilespmem:$0x1E900] =	vst v63  }
0x63: {  	_ =	swait.ge [sflag:s17], $0x2800  }
0x64: {  	[sflag:s17] =	ssyncset.done $0x0  }
0x65: {  	s26 =	rddreg [dreg:$0xe];
	[sflag:s17] =	ssyncadd.s32 $0xFFFFD800  }
0x66: {  	[hbm4b:s26+s2] =	stream.linear.scatter [tilespmem:s4], [sflag:$0x1], $0x2800, $0x38;
	[tilespmem:$0x1E900] =	vst v63  }
0x67: {  	_ =	swait.ge [sflag:s10], $0x2800  }
0x68: {  	[sflag:s10] =	ssyncset.done $0x0  }
0x69: {  	s1 =	simm.s32 @!p1 $0x19900;
	s26 =	rddreg [dreg:$0x1c];
	[sflag:s10] =	ssyncadd.s32 $0xFFFFD800  }
0x6a: {  	[tilespmem:s1], [sflag:$0x9] =	stream.linear.gather @!p1 [spmem:s26], $0x2800, $0x38;
	[tilespmem:$0x1E900] =	vst v63  }
0x6b: {  	s26 =	simm.s32 @!p1 $0x9  }
0x6c: {  	_ =	swait.ge @!p1 [sflag:s26], $0x2800  }
0x6d: {  	[sflag:s26] =	ssyncset.done @!p1 $0x0  }
0x6e: {  	s28 =	rddreg [dreg:$0xf];
	[sflag:s26] =	ssyncadd.s32 @!p1 $0xFFFFD800;
	s26 =	simm.s32 @!p1 $0x0  }
0x6f: {  	[hbm4b:s28+s26] =	stream.linear.scatter @!p1 [tilespmem:s1], [sflag:$0x2], $0x2800, $0x38;
	[tilespmem:$0x1E900] =	vst v63  }
0x70: {  	s1 =	simm.s32 @!p1 $0x3  }
0x71: {  	s28 =	rddreg [dreg:$0x17];
	_ =	swait.ge @!p1 [sflag:s1], $0x2800  }
0x72: {  	s26 =	simm.s32 @!p1 $0x1;
	[sflag:s1] =	ssyncset.done @!p1 $0x0  }
0x73: {  	s26 =	simm.s32 @p1 $0x3;
	[sflag:s1] =	ssyncadd.s32 @!p1 $0xFFFFD800  }
0x74: {  	_ =	swait.ge [sflag:s26], $0x2800  }
0x75: {  	s1 =	simm.s32 @!p1 $0x2;
	[sflag:s26] =	ssyncset.done $0x0  }
0x76: {  	s1 =	simm.s32 @p1 $0x1;
	[sflag:s26] =	ssyncadd.s32 $0xFFFFD800  }
0x77: {  	_ =	swait.ge [sflag:s1], $0x2800  }
0x78: {  	[sflag:s1] =	ssyncset.done $0x0  }
0x79: {  	s26 =	simm.s32 $0x80;
	[sflag:s1] =	ssyncadd.s32 $0xFFFFD800;
	s1 =	rddreg [dreg:$0x11]  }
0x7a: {  	[hbm4b:s1+s26] =	stream.strided.scatter [tilespmem:s3], [sflag:$0x9], $0x2800, s16, s26, $0x38;
	[tilespmem:$0x1E900] =	vst v63  }
0x7b: {  	_ =	swait.ge [sflag:s17], $0x2800  }
0x7c: {  	s1 =	rddreg [dreg:$0x1e]  }
0x7d: {  	s26 =	sadd.s32 $0x1, s1;
	s1 =	rddreg [dreg:$0x1d]  }
0x7e: {  	p2 =	sne.s32 s26, s1  }
.Ltmp1:
0x7f: {  	_ = 	snop;
	(pc) =	sbr.rel @!p2 .LBB2_5-.Ltmp1, $3  }
0x80: {  	_ =	sdelay $0x1  }
0x81: {  	[sflag:s17] =	ssyncset.done $0x0  }
0x82: {  	[sflag:s17] =	ssyncadd.s32 $0xFFFFD800  }
.LBB2_1:
0x83: {  	[dreg:$0x1e] =	wrdreg s26  }
0x84: {  	s1 =	rddreg [dreg:$0x10]  }
0x85: {  	[tilespmem:s2], [sflag:$0x9] =	stream.linear.gather [hbm4b:s1+s2], $0x400, $0x38;
	[tilespmem:$0x1E900] =	vst v63  }
0x86: {  	_ =	swait.ge [sflag:s17], $0x400  }
0x87: {  	[sflag:s17] =	ssyncset.done $0x0  }
0x88: {  	s26 =	simm.s32 $0x800;
	s1 =	rddreg [dreg:$0x12];
	[sflag:s17] =	ssyncadd.s32 $0xFFFFFC00  }
0x89: {  	[tilespmem:s26], [sflag:$0x9] =	stream.linear.gather [hbm4b:s1+s2], $0x400, $0x38;
	[tilespmem:$0x1E900] =	vst v63  }
0x8a: {  	_ =	swait.ge [sflag:s17], $0x400  }
0x8b: {  	[sflag:s17] =	ssyncset.done $0x0  }
0x8c: {  	s26 =	rddreg [dreg:$0x13];
	[sflag:s17] =	ssyncadd.s32 $0xFFFFFC00  }
0x8d: {  	[tilespmem:s16], [sflag:$0x8] =	stream.linear.gather [hbm4b:s26+s2], $0x400, $0x38;
	[tilespmem:$0x1E900] =	vst v63  }
0x8e: {  	s26 =	rddreg [dreg:$0x14]  }
0x8f: {  	[tilespmem:s18], [sflag:$0x8] =	stream.linear.gather [hbm4b:s26+s2], $0x400, $0x38;
	[tilespmem:$0x1E900] =	vst v63  }
0x90: {  	s26 =	rddreg [dreg:$0x3]  }
0x91: {  	[tilespmem:s3], [sflag:$0x9] =	stream.linear.gather [hbm4b:s26+s2], $0x2800, $0x38;
	[tilespmem:$0x1E900] =	vst v63  }
0x92: {  	_ =	swait.ge [sflag:s17], $0x2800  }
0x93: {  	[sflag:s17] =	ssyncset.done $0x0  }
0x94: {  	[sflag:s17] =	ssyncadd.s32 $0xFFFFD800  }
0x95: {  	s26 =	rddreg [dreg:$0x2]  }
0x96: {  	[tilespmem:s4], [sflag:$0x9] =	stream.linear.gather [hbm4b:s26+s2], $0x2800, $0x38;
	[tilespmem:$0x1E900] =	vst v63  }
0x97: {  	_ =	swait.ge [sflag:s17], $0x2800  }
0x98: {  	[sflag:s17] =	ssyncset.done $0x0  }
0x99: {  	s26 =	rddreg [dreg:$0x15];
	[sflag:s17] =	ssyncadd.s32 $0xFFFFD800  }
0x9a: {  	[spmem:s26] =	stream.linear.scatter [tilespmem:s4], [sflag:$0x9], $0x2800, $0x38;
	[tilespmem:$0x1E900] =	vst v63  }
0x9b: {  	_ =	swait.ge [sflag:s17], $0x2800  }
0x9c: {  	[sflag:s17] =	ssyncset.done $0x0  }
0x9d: {  	s26 =	rddreg [dreg:$0x16];
	[sflag:s17] =	ssyncadd.s32 $0xFFFFD800  }
0x9e: {  	[spmem:s26] =	stream.linear.scatter [tilespmem:s4], [sflag:$0x9], $0x2800, $0x38;
	[tilespmem:$0x1E900] =	vst v63  }
0x9f: {  	_ =	swait.ge [sflag:s17], $0x2800  }
0xa0: {  	[sflag:s17] =	ssyncset.done $0x0  }
0xa1: {  	[sflag:s17] =	ssyncadd.s32 $0xFFFFD800  }
0xa2: {  	[spmem:s28] =	stream.linear.scatter [tilespmem:s4], [sflag:$0x9], $0x2800, $0x38;
	[tilespmem:$0x1E900] =	vst v63  }
0xa3: {  	_ =	swait.ge [sflag:s17], $0x2800  }
0xa4: {  	[sflag:s17] =	ssyncset.done $0x0  }
0xa5: {  	[sflag:s17] =	ssyncadd.s32 $0xFFFFD800  }
0xa6: {  	[spmem:s29] =	stream.linear.scatter [tilespmem:s4], [sflag:$0x9], $0x2800, $0x38;
	[tilespmem:$0x1E900] =	vst v63  }
0xa7: {  	_ =	swait.ge [sflag:s17], $0x2800  }
0xa8: {  	[sflag:s17] =	ssyncset.done $0x0  }
0xa9: {  	[sflag:s17] =	ssyncadd.s32 $0xFFFFD800  }
0xaa: {  	[spmem:s30] =	stream.linear.scatter [tilespmem:s4], [sflag:$0x9], $0x2800, $0x38;
	[tilespmem:$0x1E900] =	vst v63  }
0xab: {  	_ =	swait.ge [sflag:s17], $0x2800  }
0xac: {  	[sflag:s17] =	ssyncset.done $0x0  }
0xad: {  	s26 =	rddreg [dreg:$0x1a];
	[sflag:s17] =	ssyncadd.s32 $0xFFFFD800  }
0xae: {  	[spmem:s26] =	stream.linear.scatter [tilespmem:s4], [sflag:$0x9], $0x2800, $0x38;
	[tilespmem:$0x1E900] =	vst v63  }
0xaf: {  	_ =	swait.ge [sflag:s17], $0x2800  }
0xb0: {  	[sflag:s17] =	ssyncset.done $0x0  }
0xb1: {  	s30 =	rddreg [dreg:$0x1b];
	[sflag:s17] =	ssyncadd.s32 $0xFFFFD800  }
0xb2: {  	[spmem:s30] =	stream.linear.scatter [tilespmem:s4], [sflag:$0x9], $0x2800, $0x38;
	[tilespmem:$0x1E900] =	vst v63  }
0xb3: {  	_ =	swait.ge [sflag:s17], $0x2800  }
0xb4: {  	[sflag:s17] =	ssyncset.done $0x0  }
0xb5: {  	s28 =	simm.s32 @!p0 $0x17100;
	s1 =	rddreg [dreg:$0x1c];
	[sflag:s17] =	ssyncadd.s32 $0xFFFFD800  }
0xb6: {  	[spmem:s1] =	stream.linear.scatter @!p0 [tilespmem:s28], [sflag:$0x9], $0x2800, $0x38;
	[tilespmem:$0x1E900] =	vst v63  }
0xb7: {  	s28 =	simm.s32 @!p0 $0x9  }
0xb8: {  	_ =	swait.ge @!p0 [sflag:s28], $0x2800  }
0xb9: {  	[sflag:s28] =	ssyncset.done @!p0 $0x0  }
0xba: {  	[sflag:s28] =	ssyncadd.s32 @!p0 $0xFFFFD800  }
0xbb: {  	[bflag:$0x0] =	sbarrier.arrive $0xFFFF  }
0xbc: {  	[tilespmem:s4], [sflag:$0x1] =	stream.indirect.gather [hbm4b:s0+s5], $0x80, s2, s5, $0xb8;
	[tilespmem:$0x1E900] =	vst v63  }
0xbd: {  	s26 =	simm.s32 $0x80  }
0xbe: {  	[tilespmem:s7], [sflag:$0x2] =	stream.indirect.gather [hbm4b:s0+s5], $0x80, s26, s5, $0xb8;
	[tilespmem:$0x1E900] =	vst v63  }
0xbf: {  	s29 =	simm.s32 $0x0;
	s30 =	simm.s32 $0x100;
	s28 =	simm.s32 $0x1  }
0xc0: {  	[tilespmem:s8], [sflag:$0x3] =	stream.indirect.gather [hbm4b:s0+s5], $0x80, s30, s5, $0xb8;
	[tilespmem:$0x1E900] =	vst v63  }
.LBB2_2:
0xc1: {  	_ =	swait.ge [sflag:s9], $0x2800  }
0xc2: {  	[sflag:s9] =	ssyncset.done $0x0  }
0xc3: {  	s1 =	simm.s32 $0x800;
	[sflag:s9] =	ssyncadd.s32 $0xFFFFD800  }
0xc4: {  	[spmem:s19] =	stream.indirect.scatter.add.f32 [tilespmem:s4], [sflag:$0x4], $0x80, s1, s5, $0xb8;
	[tilespmem:$0x1E900] =	vst v63  }
0xc5: {  	v1 =	vld [tilespmem:$0x800];
	_ =	sdelay $0x7  }
0xc6: {  	[tilespmem:v1+s3+$0x0] =	vst.idx.add.f32.msk $0xffff, v0  }
0xc7: {  	v1 =	vld [tilespmem:$0x810];
	_ =	sdelay $0x7  }
0xc8: {  	[tilespmem:v1+s3+$0x0] =	vst.idx.add.f32.msk $0xffff, v0  }
0xc9: {  	v1 =	vld [tilespmem:$0x820];
	_ =	sdelay $0x7  }
0xca: {  	[tilespmem:v1+s3+$0x0] =	vst.idx.add.f32.msk $0xffff, v0  }
0xcb: {  	v1 =	vld [tilespmem:$0x830];
	_ =	sdelay $0x7  }
0xcc: {  	[tilespmem:v1+s3+$0x0] =	vst.idx.add.f32.msk $0xffff, v0  }
0xcd: {  	v1 =	vld [tilespmem:$0x840];
	_ =	sdelay $0x7  }
0xce: {  	[tilespmem:v1+s3+$0x0] =	vst.idx.add.f32.msk $0xffff, v0  }
0xcf: {  	_ =	swait.ge [sflag:s10], $0x2800  }
0xd0: {  	[sflag:s10] =	ssyncset.done $0x0  }
0xd1: {  	[sflag:s10] =	ssyncadd.s32 $0xFFFFD800  }
0xd2: {  	[spmem:s19] =	stream.indirect.scatter.add.f32 [tilespmem:s7], [sflag:$0x5], $0x80, s11, s5, $0xb8;
	[tilespmem:$0x1E900] =	vst v63  }
0xd3: {  	v1 =	vld [tilespmem:$0x880];
	_ =	sdelay $0x7  }
0xd4: {  	[tilespmem:v1+s3+$0x0] =	vst.idx.add.f32.msk $0xffff, v0  }
0xd5: {  	v1 =	vld [tilespmem:$0x890];
	_ =	sdelay $0x7  }
0xd6: {  	[tilespmem:v1+s3+$0x0] =	vst.idx.add.f32.msk $0xffff, v0  }
0xd7: {  	v1 =	vld [tilespmem:$0x8A0];
	_ =	sdelay $0x7  }
0xd8: {  	[tilespmem:v1+s3+$0x0] =	vst.idx.add.f32.msk $0xffff, v0  }
0xd9: {  	v1 =	vld [tilespmem:$0x8B0];
	_ =	sdelay $0x7  }
0xda: {  	[tilespmem:v1+s3+$0x0] =	vst.idx.add.f32.msk $0xffff, v0  }
0xdb: {  	v1 =	vld [tilespmem:$0x8C0];
	_ =	sdelay $0x7  }
0xdc: {  	[tilespmem:v1+s3+$0x0] =	vst.idx.add.f32.msk $0xffff, v0  }
0xdd: {  	_ =	swait.ge [sflag:s12], $0x2800  }
0xde: {  	[sflag:s12] =	ssyncset.done $0x0  }
0xdf: {  	[sflag:s12] =	ssyncadd.s32 $0xFFFFD800  }
0xe0: {  	[spmem:s19] =	stream.indirect.scatter.add.f32 [tilespmem:s8], [sflag:$0x6], $0x80, s13, s5, $0xb8;
	[tilespmem:$0x1E900] =	vst v63  }
0xe1: {  	v1 =	vld [tilespmem:$0x900];
	_ =	sdelay $0x7  }
0xe2: {  	[tilespmem:v1+s3+$0x0] =	vst.idx.add.f32.msk $0xffff, v0  }
0xe3: {  	v1 =	vld [tilespmem:$0x910];
	_ =	sdelay $0x7  }
0xe4: {  	[tilespmem:v1+s3+$0x0] =	vst.idx.add.f32.msk $0xffff, v0  }
0xe5: {  	v1 =	vld [tilespmem:$0x920];
	_ =	sdelay $0x7  }
0xe6: {  	[tilespmem:v1+s3+$0x0] =	vst.idx.add.f32.msk $0xffff, v0  }
0xe7: {  	v1 =	vld [tilespmem:$0x930];
	_ =	sdelay $0x7  }
0xe8: {  	[tilespmem:v1+s3+$0x0] =	vst.idx.add.f32.msk $0xffff, v0  }
0xe9: {  	v1 =	vld [tilespmem:$0x940];
	_ =	sdelay $0x7  }
0xea: {  	[tilespmem:v1+s3+$0x0] =	vst.idx.add.f32.msk $0xffff, v0  }
0xeb: {  	_ =	swait.ge [sflag:s14], $0x400  }
0xec: {  	[sflag:s14] =	ssyncset.done $0x0  }
0xed: {  	[sflag:s14] =	ssyncadd.s32 $0xFFFFFC00  }
0xee: {  	_ =	swait.ge [sflag:s14], $0x400  }
0xef: {  	[sflag:s14] =	ssyncset.done $0x0  }
0xf0: {  	[sflag:s14] =	ssyncadd.s32 $0xFFFFFC00  }
0xf1: {  	_ =	swait.ge [sflag:s15], $0x2800  }
0xf2: {  	[sflag:s15] =	ssyncset.done $0x0  }
0xf3: {  	[sflag:s15] =	ssyncadd.s32 $0xFFFFD800  }
0xf4: {  	[tilespmem:s4], [sflag:$0x1] =	stream.indirect.gather [hbm4b:s0+s5], $0x80, s16, s5, $0xb8;
	[tilespmem:$0x1E900] =	vst v63  }
0xf5: {  	_ =	swait.ge [sflag:s31], $0x2800  }
0xf6: {  	[sflag:s31] =	ssyncset.done $0x0  }
0xf7: {  	[sflag:s31] =	ssyncadd.s32 $0xFFFFD800  }
0xf8: {  	[tilespmem:s7], [sflag:$0x2] =	stream.indirect.gather [hbm4b:s0+s5], $0x80, s6, s5, $0xb8;
	[tilespmem:$0x1E900] =	vst v63  }
0xf9: {  	_ =	swait.ge [sflag:s22], $0x2800  }
0xfa: {  	p2 =	seq.s32 s29, $0x1400;
	[sflag:s22] =	ssyncset.done $0x0  }
0xfb: {  	s30 =	sadd.s32 @!p2 s29, s20;
	[sflag:s22] =	ssyncadd.s32 $0xFFFFD800  }
0xfc: {  	[tilespmem:s8], [sflag:$0x3] =	stream.indirect.gather [hbm4b:s0+s5], $0x80, s23, s5, $0xb8;
	[tilespmem:$0x1E900] =	vst v63  }
0xfd: {  	s26 =	simm.s32 @!p2 $0x0;
	s30 =	sadd.s32 @!p2 $0x100, s30  }
0xfe: {  	[tilespmem:s26], [sflag:$0x7] =	stream.linear.gather @!p2 [hbm4b:s30+s26], $0x400, $0x38;
	[tilespmem:$0x1E900] =	vst v63  }
0xff: {  	s30 =	sadd.s32 @!p2 s29, s21  }
0x100: {  	s1 =	simm.s32 @!p2 $0x800;
	s30 =	sadd.s32 @!p2 $0x100, s30  }
0x101: {  	[tilespmem:s1], [sflag:$0x7] =	stream.linear.gather @!p2 [hbm4b:s30+s26], $0x400, $0x38;
	[tilespmem:$0x1E900] =	vst v63  }
0x102: {  	_ =	swait.ge [sflag:s9], $0x2800  }
0x103: {  	[sflag:s9] =	ssyncset.done $0x0  }
0x104: {  	[sflag:s9] =	ssyncadd.s32 $0xFFFFD800  }
0x105: {  	[spmem:s19] =	stream.indirect.scatter.add.f32 [tilespmem:s4], [sflag:$0x4], $0x80, s18, s5, $0xb8;
	[tilespmem:$0x1E900] =	vst v63  }
0x106: {  	v1 =	vld [tilespmem:$0xC00];
	_ =	sdelay $0x7  }
0x107: {  	[tilespmem:v1+s3+$0x0] =	vst.idx.add.f32.msk $0xffff, v0  }
0x108: {  	v1 =	vld [tilespmem:$0xC10];
	_ =	sdelay $0x7  }
0x109: {  	[tilespmem:v1+s3+$0x0] =	vst.idx.add.f32.msk $0xffff, v0  }
0x10a: {  	v1 =	vld [tilespmem:$0xC20];
	_ =	sdelay $0x7  }
0x10b: {  	[tilespmem:v1+s3+$0x0] =	vst.idx.add.f32.msk $0xffff, v0  }
0x10c: {  	v1 =	vld [tilespmem:$0xC30];
	_ =	sdelay $0x7  }
0x10d: {  	[tilespmem:v1+s3+$0x0] =	vst.idx.add.f32.msk $0xffff, v0  }
0x10e: {  	v1 =	vld [tilespmem:$0xC40];
	_ =	sdelay $0x7  }
0x10f: {  	[tilespmem:v1+s3+$0x0] =	vst.idx.add.f32.msk $0xffff, v0  }
0x110: {  	_ =	swait.ge [sflag:s10], $0x2800  }
0x111: {  	[sflag:s10] =	ssyncset.done $0x0  }
0x112: {  	[sflag:s10] =	ssyncadd.s32 $0xFFFFD800  }
0x113: {  	[spmem:s19] =	stream.indirect.scatter.add.f32 [tilespmem:s7], [sflag:$0x5], $0x80, s24, s5, $0xb8;
	[tilespmem:$0x1E900] =	vst v63  }
0x114: {  	v1 =	vld [tilespmem:$0xC80];
	_ =	sdelay $0x7  }
0x115: {  	[tilespmem:v1+s3+$0x0] =	vst.idx.add.f32.msk $0xffff, v0  }
0x116: {  	v1 =	vld [tilespmem:$0xC90];
	_ =	sdelay $0x7  }
0x117: {  	[tilespmem:v1+s3+$0x0] =	vst.idx.add.f32.msk $0xffff, v0  }
0x118: {  	v1 =	vld [tilespmem:$0xCA0];
	_ =	sdelay $0x7  }
0x119: {  	[tilespmem:v1+s3+$0x0] =	vst.idx.add.f32.msk $0xffff, v0  }
0x11a: {  	v1 =	vld [tilespmem:$0xCB0];
	_ =	sdelay $0x7  }
0x11b: {  	[tilespmem:v1+s3+$0x0] =	vst.idx.add.f32.msk $0xffff, v0  }
0x11c: {  	v1 =	vld [tilespmem:$0xCC0];
	_ =	sdelay $0x7  }
0x11d: {  	[tilespmem:v1+s3+$0x0] =	vst.idx.add.f32.msk $0xffff, v0  }
0x11e: {  	_ =	swait.ge [sflag:s12], $0x2800  }
0x11f: {  	[sflag:s12] =	ssyncset.done $0x0  }
0x120: {  	[sflag:s12] =	ssyncadd.s32 $0xFFFFD800  }
0x121: {  	[spmem:s19] =	stream.indirect.scatter.add.f32 [tilespmem:s8], [sflag:$0x6], $0x80, s25, s5, $0xb8;
	[tilespmem:$0x1E900] =	vst v63  }
0x122: {  	v1 =	vld [tilespmem:$0xD00];
	_ =	sdelay $0x7  }
0x123: {  	[tilespmem:v1+s3+$0x0] =	vst.idx.add.f32.msk $0xffff, v0  }
0x124: {  	v1 =	vld [tilespmem:$0xD10];
	_ =	sdelay $0x7  }
0x125: {  	[tilespmem:v1+s3+$0x0] =	vst.idx.add.f32.msk $0xffff, v0  }
0x126: {  	v1 =	vld [tilespmem:$0xD20];
	_ =	sdelay $0x7  }
0x127: {  	[tilespmem:v1+s3+$0x0] =	vst.idx.add.f32.msk $0xffff, v0  }
0x128: {  	v1 =	vld [tilespmem:$0xD30];
	_ =	sdelay $0x7  }
0x129: {  	[tilespmem:v1+s3+$0x0] =	vst.idx.add.f32.msk $0xffff, v0  }
0x12a: {  	v1 =	vld [tilespmem:$0xD40];
	_ =	sdelay $0x6  }
0x12b: {  	p3 =	sgt.u32 s28, $0x28  }
0x12c: {  	s1 =	simm.s32 @p3 $0x4;
	[tilespmem:v1+s3+$0x0] =	vst.idx.add.f32.msk $0xffff, v0  }
0x12d: {  	_ =	swait.ge @p3 [sflag:s1], $0x2800  }
0x12e: {  	[sflag:s1] =	ssyncset.done @p3 $0x0  }
0x12f: {  	[sflag:s1] =	ssyncadd.s32 @p3 $0xFFFFD800;
	s1 =	simm.s32 @p3 $0x5  }
0x130: {  	_ =	swait.ge @p3 [sflag:s1], $0x2800  }
0x131: {  	[sflag:s1] =	ssyncset.done @p3 $0x0  }
0x132: {  	[sflag:s1] =	ssyncadd.s32 @p3 $0xFFFFD800;
	s1 =	simm.s32 @p3 $0x6  }
0x133: {  	_ =	swait.ge @p3 [sflag:s1], $0x2800  }
0x134: {  	[sflag:s1] =	ssyncset.done @p3 $0x0  }
0x135: {  	[sflag:s1] =	ssyncadd.s32 @p3 $0xFFFFD800;
	s1 =	simm.s32 @!p3 $0x7  }
0x136: {  	_ =	swait.ge @!p3 [sflag:s1], $0x400  }
0x137: {  	[sflag:s1] =	ssyncset.done @!p3 $0x0  }
0x138: {  	[sflag:s1] =	ssyncadd.s32 @!p3 $0xFFFFFC00  }
0x139: {  	_ =	swait.ge @!p3 [sflag:s1], $0x400  }
0x13a: {  	[sflag:s1] =	ssyncset.done @!p3 $0x0  }
0x13b: {  	[sflag:s1] =	ssyncadd.s32 @!p3 $0xFFFFFC00;
	s1 =	simm.s32 @!p3 $0x4  }
0x13c: {  	_ =	swait.ge @!p3 [sflag:s1], $0x2800  }
0x13d: {  	s26 =	simm.s32 @!p3 $0x0;
	[sflag:s1] =	ssyncset.done @!p3 $0x0  }
0x13e: {  	s30 =	simm.s32 @!p3 $0x17100;
	[sflag:s1] =	ssyncadd.s32 @!p3 $0xFFFFD800;
	s1 =	simm.s32 @!p3 $0x50  }
0x13f: {  	[tilespmem:s30], [sflag:$0x1] =	stream.indirect.gather @!p3 [hbm4b:s0+s1], $0x80, s26, s1, $0xb8;
	[tilespmem:$0x1E900] =	vst v63  }
0x140: {  	s26 =	simm.s32 @!p3 $0x5  }
0x141: {  	_ =	swait.ge @!p3 [sflag:s26], $0x2800  }
0x142: {  	[sflag:s26] =	ssyncset.done @!p3 $0x0  }
0x143: {  	s30 =	simm.s32 @!p3 $0x19900;
	[sflag:s26] =	ssyncadd.s32 @!p3 $0xFFFFD800;
	s26 =	simm.s32 @!p3 $0x80  }
0x144: {  	[tilespmem:s30], [sflag:$0x2] =	stream.indirect.gather @!p3 [hbm4b:s0+s1], $0x80, s26, s1, $0xb8;
	[tilespmem:$0x1E900] =	vst v63  }
.Ltmp2:
0x145: {  	s26 =	simm.s32 @!p3 $0x6;
	(pc) =	sbr.rel @p2 .LBB2_4-.Ltmp2, $4  }
0x146: {  	_ =	swait.ge @!p3 [sflag:s26], $0x2800  }
0x147: {  	[sflag:s26] =	ssyncset.done @!p3 $0x0  }
0x148: {  	s30 =	simm.s32 @!p3 $0x1C100;
	[sflag:s26] =	ssyncadd.s32 @!p3 $0xFFFFD800;
	s26 =	simm.s32 @!p3 $0x100  }
0x149: {  	[tilespmem:s30], [sflag:$0x3] =	stream.indirect.gather @!p3 [hbm4b:s0+s1], $0x80, s26, s1, $0xb8;
	[tilespmem:$0x1E900] =	vst v63  }
.Ltmp3:
0x14a: {  	s1 =	sadd.s32 s29, s20;
	(pc) =	sbr.rel .LBB2_2-.Ltmp3, $4  }
0x14b: {  	s30 =	sadd.s32 s29, s21;
	s1 =	sadd.s32 $0x180, s1  }
0x14c: {  	[tilespmem:s16], [sflag:$0x8] =	stream.linear.gather [hbm4b:s1+s2], $0x400, $0x38;
	[tilespmem:$0x1E900] =	vst v63  }
0x14d: {  	s29 =	sadd.s32 $0x100, s29;
	s28 =	sadd.s32 $0x2, s28;
	s1 =	sadd.s32 $0x180, s30  }
0x14e: {  	[tilespmem:s18], [sflag:$0x8] =	stream.linear.gather [hbm4b:s1+s2], $0x400, $0x38;
	[tilespmem:$0x1E900] =	vst v63  }
.LBB2_5:
0x14f: {  	_ =	sfence.sel $0x180000  }
0x150: {  	[bflag:$0x0] =	sbarrier.arrive $0xFFFF  }
0x151: {  	_ =	strace $0x90000047  }
0x152: {  	s0 =	stileid.u32;
	[bflag:$0x2] =	sbarrier.arrive $0xFFFF  }
0x153: {  	p0 =	sne.s32 s0, $0x0;
	s0 =	rddreg [dreg:$0x7]  }
0x154: {  	s0 =	sadd.s32 @!p0 $0x100000, s0  }
0x155: {  	[sflag:s0] =	ssyncadd.tile.s32 @!p0 $0x1;
	_ =	shalt  }
.Lfunc_end2:
_tile_overlayer_lowered:
.L_overlay_start_2:
0x156: {  	(tag) =	ssettag $0x2  }
0x157: {  	s0 =	rddreg [dreg:$0x0];
	s2 =	stileid.u32  }
0x158: {  	s1 =	rddreg [dreg:$0x1];
	p0 =	sne.s32 s2, $0x0  }
0x159: {  	s3 =	rddreg [dreg:$0x2];
	[bflag:$0x3] =	sbarrier.arrive $0xFFFF;
	s2 =	simm.s32 @!p0 $0x1C09  }
0x15a: {  	[timem:s3], [sflag:s2] =	dma.local @!p0 [hbm:s0], s1  }
0x15b: {  	s0 =	simm.s32 @!p0 $0x9  }
0x15c: {  	_ =	swait.ge @!p0 [sflag:s0], s1  }
0x15d: {  	s1 =	ssub.s32 @!p0 $0x0, s1;
	[sflag:s0] =	ssyncset.done @!p0 $0x0  }
0x15e: {  	[sflag:s0] =	ssyncadd.s32 @!p0 s1  }
0x15f: {  	[bflag:$0x3] =	sbarrier.arrive $0xFFFF  }
0x160: {  	_ =	shalt  }

</sc_bundles>
